<compile_context>
chip_gen: v7x
topology: tpu7x:2x2x1
jax: 0.10.2.dev20260603
libtpu: 0.0.44.dev20260713+nightly
codegen_flags: <defaults>
</compile_context>

<pallas_src>
import functools

import jax
import jax.numpy as jnp
from jax import lax
from jax.experimental import pallas as pl
from jax.experimental.pallas import tpu as pltpu
from jax.experimental.pallas import tpu_sc as plsc

BATCH = 16384
OUT_DIM = 64
_WIDE = 2 * OUT_DIM

_NUM_CORES = 2
_NUM_SUBCORES = 16
_NUM_WORKERS = _NUM_CORES * _NUM_SUBCORES
_B_PER_W = BATCH // _NUM_WORKERS
_CHUNK = 128
_N_CHUNKS = _B_PER_W // _CHUNK
_LANES = 16

_mesh = plsc.VectorSubcoreMesh(core_axis_name="c", subcore_axis_name="s")


@functools.partial(
    pl.kernel,
    out_type=jax.ShapeDtypeStruct((BATCH, _WIDE), jnp.float32),
    mesh=_mesh,
    scratch_types=(
        [pltpu.VMEM((_B_PER_W,), jnp.int32)]
        + [pltpu.VMEM((_CHUNK,), jnp.int32) for _ in range(_N_CHUNKS)]
        + [pltpu.VMEM((_CHUNK, _WIDE), jnp.float32) for _ in range(_N_CHUNKS)]
        + [pltpu.SemaphoreType.DMA]
    ),
)
def _embed_gather(labels_hbm, table_hbm, out_hbm, lab_v, *scratch):
    idx_vs = scratch[:_N_CHUNKS]
    wide_vs = scratch[_N_CHUNKS:2 * _N_CHUNKS]
    sem = scratch[2 * _N_CHUNKS]

    wid = lax.axis_index("s") * _NUM_CORES + lax.axis_index("c")
    base = wid * _B_PER_W
    pltpu.sync_copy(labels_hbm.at[pl.ds(base, _B_PER_W)], lab_v)

    for k in range(_N_CHUNKS):
        for g in range(_CHUNK // _LANES):
            lv = lab_v[pl.ds(k * _CHUNK + g * _LANES, _LANES)]
            idx_vs[k][pl.ds(g * _LANES, _LANES)] = lv >> 1
    copies = [
        pltpu.async_copy(table_hbm.at[idx_vs[k]], wide_vs[k], sem)
        for k in range(_N_CHUNKS)
    ]
    for k in range(_N_CHUNKS):
        copies[k].wait()
        pltpu.sync_copy(
            wide_vs[k], out_hbm.at[pl.ds(base + k * _CHUNK, _CHUNK)]
        )


def kernel(labels, table, training=0):
    del training
    labels = labels.astype(jnp.int32)
    table_wide = jnp.concatenate([table[0::2], table[1::2]], axis=1)
    wide = _embed_gather(labels, table_wide)
    right = (labels & 1).astype(jnp.bool_)
    return jnp.where(right[:, None], wide[:, OUT_DIM:], wide[:, :OUT_DIM])

# --- scband reference (transcript-rebuilt; emitter-appended) ---
"""Pipeline reference for scband-label-embedder-86990267613397 (READ-ONLY COPY).

The authoritative reference and input builder live on the scoring server;
editing this copy changes nothing except your own understanding.
"""

import jax, jax.numpy as jnp
import numpy as np

NUM_CLASSES = 1000000
OUT_DIM = 64
BATCH = 16384


def setup_inputs(seed: int = 0) -> dict:
    key = jax.random.key(seed)
    k1, k2 = jax.random.split(key)
    labels = jax.random.randint(k1, (BATCH,), 0, NUM_CLASSES, dtype=jnp.int64 if jax.config.jax_enable_x64 else jnp.int32)
    table = jax.random.normal(k2, (NUM_CLASSES, OUT_DIM), dtype=jnp.float32)
    return {"labels": labels, "table": table, "training": 0}


def reference(labels, table, training=0):
    # dropout_prob == 0.0 -> no label dropping regardless of training flag.
    # Embedding lookup: gather rows of table by labels.
    return jnp.take(table, labels, axis=0)

if __name__ == "__main__":
    import jax
    _d = setup_inputs()
    print(jax.jit(kernel)(*tuple(_d.values())))

</pallas_src>

<mosaic_0001>
#map = affine_map<(d0, d1) -> (0)>
#map1 = affine_map<(d0, d1) -> (0, 0)>
module attributes {stable_mosaic.version = 14 : i64} {
  func.func @_embed_gather(%arg0: i32, %arg1: i32, %arg2: memref<16384xi32, #tpu.memory_space<hbm>>, %arg3: memref<500000x128xf32, #tpu.memory_space<hbm>>, %arg4: memref<16384x128xf32, #tpu.memory_space<hbm>>, %arg5: memref<512xi32, #tpu.memory_space<vmem>>, %arg6: memref<128xi32, #tpu.memory_space<vmem>>, %arg7: memref<128xi32, #tpu.memory_space<vmem>>, %arg8: memref<128xi32, #tpu.memory_space<vmem>>, %arg9: memref<128xi32, #tpu.memory_space<vmem>>, %arg10: memref<128x128xf32, #tpu.memory_space<vmem>>, %arg11: memref<128x128xf32, #tpu.memory_space<vmem>>, %arg12: memref<128x128xf32, #tpu.memory_space<vmem>>, %arg13: memref<128x128xf32, #tpu.memory_space<vmem>>, %arg14: memref<!tpu.dma_semaphore, #tpu.memory_space<semaphore_mem>>) attributes {dimension_semantics = [#tpu.dimension_semantics<core_parallel>, #tpu.dimension_semantics<subcore_parallel>], iteration_bounds = array<i64: 2, 16>, scalar_prefetch = 0 : i64, scratch_operands = 10 : i64, tpu.core_type = #tpu.core_type<sc_vector_subcore>, window_params = [{transform_indices = #map}, {transform_indices = #map1}, {transform_indices = #map1}]} {
    %mul3A = arith.constant 2 : i32
    %mul3A_0 = arith.muli %arg1, %mul3A : i32
    %add3A = arith.addi %mul3A_0, %arg0 : i32
    %mul3A_1 = arith.constant 512 : i32
    %mul3A_2 = arith.muli %add3A, %mul3A_1 : i32
    "tpu.region"() ({
      %run_scoped3A = tpu.sem_alloc : memref<!tpu.dma_semaphore, #tpu.memory_space<semaphore_mem>>
      %dma_start3A_350 = tpu.memref_slice %arg2[%mul3A_2] : memref<16384xi32, #tpu.memory_space<hbm>> -> memref<512xi32, #tpu.memory_space<hbm>>
      %dma_start3A_351 = tpu.memref_slice %arg2[%mul3A_2] : memref<16384xi32, #tpu.memory_space<hbm>> -> memref<512xi32, #tpu.memory_space<hbm>>
      tpu.enqueue_dma source(%dma_start3A_351 : memref<512xi32, #tpu.memory_space<hbm>>) target(%arg5 : memref<512xi32, #tpu.memory_space<vmem>>) target_semaphore(%run_scoped3A : memref<!tpu.dma_semaphore, #tpu.memory_space<semaphore_mem>>)
      %dma_wait3A_352 = tpu.memref_slice %arg2[%mul3A_2] : memref<16384xi32, #tpu.memory_space<hbm>> -> memref<512xi32, #tpu.memory_space<hbm>>
      %dma_wait3A_353 = tpu.memref_slice %arg2[%mul3A_2] : memref<16384xi32, #tpu.memory_space<hbm>> -> memref<512xi32, #tpu.memory_space<hbm>>
      tpu.wait_dma2 semaphore(%run_scoped3A : memref<!tpu.dma_semaphore, #tpu.memory_space<semaphore_mem>>) src(%dma_wait3A_353 : memref<512xi32, #tpu.memory_space<hbm>>) dst(%arg5 : memref<512xi32, #tpu.memory_space<vmem>>)
      tpu.yield
    }) : () -> ()
    %get3A = arith.constant 0 : index
    %get3A_3 = tpu.vector_load %arg5[%get3A] {strides = array<i32>} : memref<512xi32, #tpu.memory_space<vmem>>, vector<16xi32>,
    %get3A_4 = vector.shape_cast %get3A_3 : vector<16xi32> to vector<16xi32>
    %shift_right_arithmetic3A = arith.constant 1 : i32
    %shift_right_arithmetic3A_5 = vector.broadcast %shift_right_arithmetic3A : i32 to vector<16xi32>
    %shift_right_arithmetic3A_6 = arith.shrsi %get3A_4, %shift_right_arithmetic3A_5 : vector<16xi32>
    %swap3A = arith.constant 0 : index
    %swap3A_7 = tpu.vector_load %arg6[%swap3A] {strides = array<i32>} : memref<128xi32, #tpu.memory_space<vmem>>, vector<16xi32>,
    %swap3A_8 = vector.shape_cast %swap3A_7 : vector<16xi32> to vector<16xi32>
    %swap3A_9 = vector.shape_cast %shift_right_arithmetic3A_6 : vector<16xi32> to vector<16xi32>
    tpu.vector_store %arg6[%swap3A], %swap3A_9 {strides = array<i32>} : memref<128xi32, #tpu.memory_space<vmem>>, vector<16xi32>,
    %get3A_10 = arith.constant 16 : index
    %get3A_11 = tpu.vector_load %arg5[%get3A_10] {strides = array<i32>} : memref<512xi32, #tpu.memory_space<vmem>>, vector<16xi32>,
    %get3A_12 = vector.shape_cast %get3A_11 : vector<16xi32> to vector<16xi32>
    %shift_right_arithmetic3A_13 = arith.constant 1 : i32
    %shift_right_arithmetic3A_14 = vector.broadcast %shift_right_arithmetic3A_13 : i32 to vector<16xi32>
    %shift_right_arithmetic3A_15 = arith.shrsi %get3A_12, %shift_right_arithmetic3A_14 : vector<16xi32>
    %swap3A_16 = arith.constant 16 : index
    %swap3A_17 = tpu.vector_load %arg6[%swap3A_16] {strides = array<i32>} : memref<128xi32, #tpu.memory_space<vmem>>, vector<16xi32>,
    %swap3A_18 = vector.shape_cast %swap3A_17 : vector<16xi32> to vector<16xi32>
    %swap3A_19 = vector.shape_cast %shift_right_arithmetic3A_15 : vector<16xi32> to vector<16xi32>
    tpu.vector_store %arg6[%swap3A_16], %swap3A_19 {strides = array<i32>} : memref<128xi32, #tpu.memory_space<vmem>>, vector<16xi32>,
    %get3A_20 = arith.constant 32 : index
    %get3A_21 = tpu.vector_load %arg5[%get3A_20] {strides = array<i32>} : memref<512xi32, #tpu.memory_space<vmem>>, vector<16xi32>,
    %get3A_22 = vector.shape_cast %get3A_21 : vector<16xi32> to vector<16xi32>
    %shift_right_arithmetic3A_23 = arith.constant 1 : i32
    %shift_right_arithmetic3A_24 = vector.broadcast %shift_right_arithmetic3A_23 : i32 to vector<16xi32>
    %shift_right_arithmetic3A_25 = arith.shrsi %get3A_22, %shift_right_arithmetic3A_24 : vector<16xi32>
    %swap3A_26 = arith.constant 32 : index
    %swap3A_27 = tpu.vector_load %arg6[%swap3A_26] {strides = array<i32>} : memref<128xi32, #tpu.memory_space<vmem>>, vector<16xi32>,
    %swap3A_28 = vector.shape_cast %swap3A_27 : vector<16xi32> to vector<16xi32>
    %swap3A_29 = vector.shape_cast %shift_right_arithmetic3A_25 : vector<16xi32> to vector<16xi32>
    tpu.vector_store %arg6[%swap3A_26], %swap3A_29 {strides = array<i32>} : memref<128xi32, #tpu.memory_space<vmem>>, vector<16xi32>,
    %get3A_30 = arith.constant 48 : index
    %get3A_31 = tpu.vector_load %arg5[%get3A_30] {strides = array<i32>} : memref<512xi32, #tpu.memory_space<vmem>>, vector<16xi32>,
    %get3A_32 = vector.shape_cast %get3A_31 : vector<16xi32> to vector<16xi32>
    %shift_right_arithmetic3A_33 = arith.constant 1 : i32
    %shift_right_arithmetic3A_34 = vector.broadcast %shift_right_arithmetic3A_33 : i32 to vector<16xi32>
    %shift_right_arithmetic3A_35 = arith.shrsi %get3A_32, %shift_right_arithmetic3A_34 : vector<16xi32>
    %swap3A_36 = arith.constant 48 : index
    %swap3A_37 = tpu.vector_load %arg6[%swap3A_36] {strides = array<i32>} : memref<128xi32, #tpu.memory_space<vmem>>, vector<16xi32>,
    %swap3A_38 = vector.shape_cast %swap3A_37 : vector<16xi32> to vector<16xi32>
    %swap3A_39 = vector.shape_cast %shift_right_arithmetic3A_35 : vector<16xi32> to vector<16xi32>
    tpu.vector_store %arg6[%swap3A_36], %swap3A_39 {strides = array<i32>} : memref<128xi32, #tpu.memory_space<vmem>>, vector<16xi32>,
    %get3A_40 = arith.constant 64 : index
    %get3A_41 = tpu.vector_load %arg5[%get3A_40] {strides = array<i32>} : memref<512xi32, #tpu.memory_space<vmem>>, vector<16xi32>,
    %get3A_42 = vector.shape_cast %get3A_41 : vector<16xi32> to vector<16xi32>
    %shift_right_arithmetic3A_43 = arith.constant 1 : i32
    %shift_right_arithmetic3A_44 = vector.broadcast %shift_right_arithmetic3A_43 : i32 to vector<16xi32>
    %shift_right_arithmetic3A_45 = arith.shrsi %get3A_42, %shift_right_arithmetic3A_44 : vector<16xi32>
    %swap3A_46 = arith.constant 64 : index
    %swap3A_47 = tpu.vector_load %arg6[%swap3A_46] {strides = array<i32>} : memref<128xi32, #tpu.memory_space<vmem>>, vector<16xi32>,
    %swap3A_48 = vector.shape_cast %swap3A_47 : vector<16xi32> to vector<16xi32>
    %swap3A_49 = vector.shape_cast %shift_right_arithmetic3A_45 : vector<16xi32> to vector<16xi32>
    tpu.vector_store %arg6[%swap3A_46], %swap3A_49 {strides = array<i32>} : memref<128xi32, #tpu.memory_space<vmem>>, vector<16xi32>,
    %get3A_50 = arith.constant 80 : index
    %get3A_51 = tpu.vector_load %arg5[%get3A_50] {strides = array<i32>} : memref<512xi32, #tpu.memory_space<vmem>>, vector<16xi32>,
    %get3A_52 = vector.shape_cast %get3A_51 : vector<16xi32> to vector<16xi32>
    %shift_right_arithmetic3A_53 = arith.constant 1 : i32
    %shift_right_arithmetic3A_54 = vector.broadcast %shift_right_arithmetic3A_53 : i32 to vector<16xi32>
    %shift_right_arithmetic3A_55 = arith.shrsi %get3A_52, %shift_right_arithmetic3A_54 : vector<16xi32>
    %swap3A_56 = arith.constant 80 : index
    %swap3A_57 = tpu.vector_load %arg6[%swap3A_56] {strides = array<i32>} : memref<128xi32, #tpu.memory_space<vmem>>, vector<16xi32>,
    %swap3A_58 = vector.shape_cast %swap3A_57 : vector<16xi32> to vector<16xi32>
    %swap3A_59 = vector.shape_cast %shift_right_arithmetic3A_55 : vector<16xi32> to vector<16xi32>
    tpu.vector_store %arg6[%swap3A_56], %swap3A_59 {strides = array<i32>} : memref<128xi32, #tpu.memory_space<vmem>>, vector<16xi32>,
    %get3A_60 = arith.constant 96 : index
    %get3A_61 = tpu.vector_load %arg5[%get3A_60] {strides = array<i32>} : memref<512xi32, #tpu.memory_space<vmem>>, vector<16xi32>,
    %get3A_62 = vector.shape_cast %get3A_61 : vector<16xi32> to vector<16xi32>
    %shift_right_arithmetic3A_63 = arith.constant 1 : i32
    %shift_right_arithmetic3A_64 = vector.broadcast %shift_right_arithmetic3A_63 : i32 to vector<16xi32>
    %shift_right_arithmetic3A_65 = arith.shrsi %get3A_62, %shift_right_arithmetic3A_64 : vector<16xi32>
    %swap3A_66 = arith.constant 96 : index
    %swap3A_67 = tpu.vector_load %arg6[%swap3A_66] {strides = array<i32>} : memref<128xi32, #tpu.memory_space<vmem>>, vector<16xi32>,
    %swap3A_68 = vector.shape_cast %swap3A_67 : vector<16xi32> to vector<16xi32>
    %swap3A_69 = vector.shape_cast %shift_right_arithmetic3A_65 : vector<16xi32> to vector<16xi32>
    tpu.vector_store %arg6[%swap3A_66], %swap3A_69 {strides = array<i32>} : memref<128xi32, #tpu.memory_space<vmem>>, vector<16xi32>,
    %get3A_70 = arith.constant 112 : index
    %get3A_71 = tpu.vector_load %arg5[%get3A_70] {strides = array<i32>} : memref<512xi32, #tpu.memory_space<vmem>>, vector<16xi32>,
    %get3A_72 = vector.shape_cast %get3A_71 : vector<16xi32> to vector<16xi32>
    %shift_right_arithmetic3A_73 = arith.constant 1 : i32
    %shift_right_arithmetic3A_74 = vector.broadcast %shift_right_arithmetic3A_73 : i32 to vector<16xi32>
    %shift_right_arithmetic3A_75 = arith.shrsi %get3A_72, %shift_right_arithmetic3A_74 : vector<16xi32>
    %swap3A_76 = arith.constant 112 : index
    %swap3A_77 = tpu.vector_load %arg6[%swap3A_76] {strides = array<i32>} : memref<128xi32, #tpu.memory_space<vmem>>, vector<16xi32>,
    %swap3A_78 = vector.shape_cast %swap3A_77 : vector<16xi32> to vector<16xi32>
    %swap3A_79 = vector.shape_cast %shift_right_arithmetic3A_75 : vector<16xi32> to vector<16xi32>
    tpu.vector_store %arg6[%swap3A_76], %swap3A_79 {strides = array<i32>} : memref<128xi32, #tpu.memory_space<vmem>>, vector<16xi32>,
    %get3A_80 = arith.constant 128 : index
    %get3A_81 = tpu.vector_load %arg5[%get3A_80] {strides = array<i32>} : memref<512xi32, #tpu.memory_space<vmem>>, vector<16xi32>,
    %get3A_82 = vector.shape_cast %get3A_81 : vector<16xi32> to vector<16xi32>
    %shift_right_arithmetic3A_83 = arith.constant 1 : i32
    %shift_right_arithmetic3A_84 = vector.broadcast %shift_right_arithmetic3A_83 : i32 to vector<16xi32>
    %shift_right_arithmetic3A_85 = arith.shrsi %get3A_82, %shift_right_arithmetic3A_84 : vector<16xi32>
    %swap3A_86 = arith.constant 0 : index
    %swap3A_87 = tpu.vector_load %arg7[%swap3A_86] {strides = array<i32>} : memref<128xi32, #tpu.memory_space<vmem>>, vector<16xi32>,
    %swap3A_88 = vector.shape_cast %swap3A_87 : vector<16xi32> to vector<16xi32>
    %swap3A_89 = vector.shape_cast %shift_right_arithmetic3A_85 : vector<16xi32> to vector<16xi32>
    tpu.vector_store %arg7[%swap3A_86], %swap3A_89 {strides = array<i32>} : memref<128xi32, #tpu.memory_space<vmem>>, vector<16xi32>,
    %get3A_90 = arith.constant 144 : index
    %get3A_91 = tpu.vector_load %arg5[%get3A_90] {strides = array<i32>} : memref<512xi32, #tpu.memory_space<vmem>>, vector<16xi32>,
    %get3A_92 = vector.shape_cast %get3A_91 : vector<16xi32> to vector<16xi32>
    %shift_right_arithmetic3A_93 = arith.constant 1 : i32
    %shift_right_arithmetic3A_94 = vector.broadcast %shift_right_arithmetic3A_93 : i32 to vector<16xi32>
    %shift_right_arithmetic3A_95 = arith.shrsi %get3A_92, %shift_right_arithmetic3A_94 : vector<16xi32>
    %swap3A_96 = arith.constant 16 : index
    %swap3A_97 = tpu.vector_load %arg7[%swap3A_96] {strides = array<i32>} : memref<128xi32, #tpu.memory_space<vmem>>, vector<16xi32>,
    %swap3A_98 = vector.shape_cast %swap3A_97 : vector<16xi32> to vector<16xi32>
    %swap3A_99 = vector.shape_cast %shift_right_arithmetic3A_95 : vector<16xi32> to vector<16xi32>
    tpu.vector_store %arg7[%swap3A_96], %swap3A_99 {strides = array<i32>} : memref<128xi32, #tpu.memory_space<vmem>>, vector<16xi32>,
    %get3A_100 = arith.constant 160 : index
    %get3A_101 = tpu.vector_load %arg5[%get3A_100] {strides = array<i32>} : memref<512xi32, #tpu.memory_space<vmem>>, vector<16xi32>,
    %get3A_102 = vector.shape_cast %get3A_101 : vector<16xi32> to vector<16xi32>
    %shift_right_arithmetic3A_103 = arith.constant 1 : i32
    %shift_right_arithmetic3A_104 = vector.broadcast %shift_right_arithmetic3A_103 : i32 to vector<16xi32>
    %shift_right_arithmetic3A_105 = arith.shrsi %get3A_102, %shift_right_arithmetic3A_104 : vector<16xi32>
    %swap3A_106 = arith.constant 32 : index
    %swap3A_107 = tpu.vector_load %arg7[%swap3A_106] {strides = array<i32>} : memref<128xi32, #tpu.memory_space<vmem>>, vector<16xi32>,
    %swap3A_108 = vector.shape_cast %swap3A_107 : vector<16xi32> to vector<16xi32>
    %swap3A_109 = vector.shape_cast %shift_right_arithmetic3A_105 : vector<16xi32> to vector<16xi32>
    tpu.vector_store %arg7[%swap3A_106], %swap3A_109 {strides = array<i32>} : memref<128xi32, #tpu.memory_space<vmem>>, vector<16xi32>,
    %get3A_110 = arith.constant 176 : index
    %get3A_111 = tpu.vector_load %arg5[%get3A_110] {strides = array<i32>} : memref<512xi32, #tpu.memory_space<vmem>>, vector<16xi32>,
    %get3A_112 = vector.shape_cast %get3A_111 : vector<16xi32> to vector<16xi32>
    %shift_right_arithmetic3A_113 = arith.constant 1 : i32
    %shift_right_arithmetic3A_114 = vector.broadcast %shift_right_arithmetic3A_113 : i32 to vector<16xi32>
    %shift_right_arithmetic3A_115 = arith.shrsi %get3A_112, %shift_right_arithmetic3A_114 : vector<16xi32>
    %swap3A_116 = arith.constant 48 : index
    %swap3A_117 = tpu.vector_load %arg7[%swap3A_116] {strides = array<i32>} : memref<128xi32, #tpu.memory_space<vmem>>, vector<16xi32>,
    %swap3A_118 = vector.shape_cast %swap3A_117 : vector<16xi32> to vector<16xi32>
    %swap3A_119 = vector.shape_cast %shift_right_arithmetic3A_115 : vector<16xi32> to vector<16xi32>
    tpu.vector_store %arg7[%swap3A_116], %swap3A_119 {strides = array<i32>} : memref<128xi32, #tpu.memory_space<vmem>>, vector<16xi32>,
    %get3A_120 = arith.constant 192 : index
    %get3A_121 = tpu.vector_load %arg5[%get3A_120] {strides = array<i32>} : memref<512xi32, #tpu.memory_space<vmem>>, vector<16xi32>,
    %get3A_122 = vector.shape_cast %get3A_121 : vector<16xi32> to vector<16xi32>
    %shift_right_arithmetic3A_123 = arith.constant 1 : i32
    %shift_right_arithmetic3A_124 = vector.broadcast %shift_right_arithmetic3A_123 : i32 to vector<16xi32>
    %shift_right_arithmetic3A_125 = arith.shrsi %get3A_122, %shift_right_arithmetic3A_124 : vector<16xi32>
    %swap3A_126 = arith.constant 64 : index
    %swap3A_127 = tpu.vector_load %arg7[%swap3A_126] {strides = array<i32>} : memref<128xi32, #tpu.memory_space<vmem>>, vector<16xi32>,
    %swap3A_128 = vector.shape_cast %swap3A_127 : vector<16xi32> to vector<16xi32>
    %swap3A_129 = vector.shape_cast %shift_right_arithmetic3A_125 : vector<16xi32> to vector<16xi32>
    tpu.vector_store %arg7[%swap3A_126], %swap3A_129 {strides = array<i32>} : memref<128xi32, #tpu.memory_space<vmem>>, vector<16xi32>,
    %get3A_130 = arith.constant 208 : index
    %get3A_131 = tpu.vector_load %arg5[%get3A_130] {strides = array<i32>} : memref<512xi32, #tpu.memory_space<vmem>>, vector<16xi32>,
    %get3A_132 = vector.shape_cast %get3A_131 : vector<16xi32> to vector<16xi32>
    %shift_right_arithmetic3A_133 = arith.constant 1 : i32
    %shift_right_arithmetic3A_134 = vector.broadcast %shift_right_arithmetic3A_133 : i32 to vector<16xi32>
    %shift_right_arithmetic3A_135 = arith.shrsi %get3A_132, %shift_right_arithmetic3A_134 : vector<16xi32>
    %swap3A_136 = arith.constant 80 : index
    %swap3A_137 = tpu.vector_load %arg7[%swap3A_136] {strides = array<i32>} : memref<128xi32, #tpu.memory_space<vmem>>, vector<16xi32>,
    %swap3A_138 = vector.shape_cast %swap3A_137 : vector<16xi32> to vector<16xi32>
    %swap3A_139 = vector.shape_cast %shift_right_arithmetic3A_135 : vector<16xi32> to vector<16xi32>
    tpu.vector_store %arg7[%swap3A_136], %swap3A_139 {strides = array<i32>} : memref<128xi32, #tpu.memory_space<vmem>>, vector<16xi32>,
    %get3A_140 = arith.constant 224 : index
    %get3A_141 = tpu.vector_load %arg5[%get3A_140] {strides = array<i32>} : memref<512xi32, #tpu.memory_space<vmem>>, vector<16xi32>,
    %get3A_142 = vector.shape_cast %get3A_141 : vector<16xi32> to vector<16xi32>
    %shift_right_arithmetic3A_143 = arith.constant 1 : i32
    %shift_right_arithmetic3A_144 = vector.broadcast %shift_right_arithmetic3A_143 : i32 to vector<16xi32>
    %shift_right_arithmetic3A_145 = arith.shrsi %get3A_142, %shift_right_arithmetic3A_144 : vector<16xi32>
    %swap3A_146 = arith.constant 96 : index
    %swap3A_147 = tpu.vector_load %arg7[%swap3A_146] {strides = array<i32>} : memref<128xi32, #tpu.memory_space<vmem>>, vector<16xi32>,
    %swap3A_148 = vector.shape_cast %swap3A_147 : vector<16xi32> to vector<16xi32>
    %swap3A_149 = vector.shape_cast %shift_right_arithmetic3A_145 : vector<16xi32> to vector<16xi32>
    tpu.vector_store %arg7[%swap3A_146], %swap3A_149 {strides = array<i32>} : memref<128xi32, #tpu.memory_space<vmem>>, vector<16xi32>,
    %get3A_150 = arith.constant 240 : index
    %get3A_151 = tpu.vector_load %arg5[%get3A_150] {strides = array<i32>} : memref<512xi32, #tpu.memory_space<vmem>>, vector<16xi32>,
    %get3A_152 = vector.shape_cast %get3A_151 : vector<16xi32> to vector<16xi32>
    %shift_right_arithmetic3A_153 = arith.constant 1 : i32
    %shift_right_arithmetic3A_154 = vector.broadcast %shift_right_arithmetic3A_153 : i32 to vector<16xi32>
    %shift_right_arithmetic3A_155 = arith.shrsi %get3A_152, %shift_right_arithmetic3A_154 : vector<16xi32>
    %swap3A_156 = arith.constant 112 : index
    %swap3A_157 = tpu.vector_load %arg7[%swap3A_156] {strides = array<i32>} : memref<128xi32, #tpu.memory_space<vmem>>, vector<16xi32>,
    %swap3A_158 = vector.shape_cast %swap3A_157 : vector<16xi32> to vector<16xi32>
    %swap3A_159 = vector.shape_cast %shift_right_arithmetic3A_155 : vector<16xi32> to vector<16xi32>
    tpu.vector_store %arg7[%swap3A_156], %swap3A_159 {strides = array<i32>} : memref<128xi32, #tpu.memory_space<vmem>>, vector<16xi32>,
    %get3A_160 = arith.constant 256 : index
    %get3A_161 = tpu.vector_load %arg5[%get3A_160] {strides = array<i32>} : memref<512xi32, #tpu.memory_space<vmem>>, vector<16xi32>,
    %get3A_162 = vector.shape_cast %get3A_161 : vector<16xi32> to vector<16xi32>
    %shift_right_arithmetic3A_163 = arith.constant 1 : i32
    %shift_right_arithmetic3A_164 = vector.broadcast %shift_right_arithmetic3A_163 : i32 to vector<16xi32>
    %shift_right_arithmetic3A_165 = arith.shrsi %get3A_162, %shift_right_arithmetic3A_164 : vector<16xi32>
    %swap3A_166 = arith.constant 0 : index
    %swap3A_167 = tpu.vector_load %arg8[%swap3A_166] {strides = array<i32>} : memref<128xi32, #tpu.memory_space<vmem>>, vector<16xi32>,
    %swap3A_168 = vector.shape_cast %swap3A_167 : vector<16xi32> to vector<16xi32>
    %swap3A_169 = vector.shape_cast %shift_right_arithmetic3A_165 : vector<16xi32> to vector<16xi32>
    tpu.vector_store %arg8[%swap3A_166], %swap3A_169 {strides = array<i32>} : memref<128xi32, #tpu.memory_space<vmem>>, vector<16xi32>,
    %get3A_170 = arith.constant 272 : index
    %get3A_171 = tpu.vector_load %arg5[%get3A_170] {strides = array<i32>} : memref<512xi32, #tpu.memory_space<vmem>>, vector<16xi32>,
    %get3A_172 = vector.shape_cast %get3A_171 : vector<16xi32> to vector<16xi32>
    %shift_right_arithmetic3A_173 = arith.constant 1 : i32
    %shift_right_arithmetic3A_174 = vector.broadcast %shift_right_arithmetic3A_173 : i32 to vector<16xi32>
    %shift_right_arithmetic3A_175 = arith.shrsi %get3A_172, %shift_right_arithmetic3A_174 : vector<16xi32>
    %swap3A_176 = arith.constant 16 : index
    %swap3A_177 = tpu.vector_load %arg8[%swap3A_176] {strides = array<i32>} : memref<128xi32, #tpu.memory_space<vmem>>, vector<16xi32>,
    %swap3A_178 = vector.shape_cast %swap3A_177 : vector<16xi32> to vector<16xi32>
    %swap3A_179 = vector.shape_cast %shift_right_arithmetic3A_175 : vector<16xi32> to vector<16xi32>
    tpu.vector_store %arg8[%swap3A_176], %swap3A_179 {strides = array<i32>} : memref<128xi32, #tpu.memory_space<vmem>>, vector<16xi32>,
    %get3A_180 = arith.constant 288 : index
    %get3A_181 = tpu.vector_load %arg5[%get3A_180] {strides = array<i32>} : memref<512xi32, #tpu.memory_space<vmem>>, vector<16xi32>,
    %get3A_182 = vector.shape_cast %get3A_181 : vector<16xi32> to vector<16xi32>
    %shift_right_arithmetic3A_183 = arith.constant 1 : i32
    %shift_right_arithmetic3A_184 = vector.broadcast %shift_right_arithmetic3A_183 : i32 to vector<16xi32>
    %shift_right_arithmetic3A_185 = arith.shrsi %get3A_182, %shift_right_arithmetic3A_184 : vector<16xi32>
    %swap3A_186 = arith.constant 32 : index
    %swap3A_187 = tpu.vector_load %arg8[%swap3A_186] {strides = array<i32>} : memref<128xi32, #tpu.memory_space<vmem>>, vector<16xi32>,
    %swap3A_188 = vector.shape_cast %swap3A_187 : vector<16xi32> to vector<16xi32>
    %swap3A_189 = vector.shape_cast %shift_right_arithmetic3A_185 : vector<16xi32> to vector<16xi32>
    tpu.vector_store %arg8[%swap3A_186], %swap3A_189 {strides = array<i32>} : memref<128xi32, #tpu.memory_space<vmem>>, vector<16xi32>,
    %get3A_190 = arith.constant 304 : index
    %get3A_191 = tpu.vector_load %arg5[%get3A_190] {strides = array<i32>} : memref<512xi32, #tpu.memory_space<vmem>>, vector<16xi32>,
    %get3A_192 = vector.shape_cast %get3A_191 : vector<16xi32> to vector<16xi32>
    %shift_right_arithmetic3A_193 = arith.constant 1 : i32
    %shift_right_arithmetic3A_194 = vector.broadcast %shift_right_arithmetic3A_193 : i32 to vector<16xi32>
    %shift_right_arithmetic3A_195 = arith.shrsi %get3A_192, %shift_right_arithmetic3A_194 : vector<16xi32>
    %swap3A_196 = arith.constant 48 : index
    %swap3A_197 = tpu.vector_load %arg8[%swap3A_196] {strides = array<i32>} : memref<128xi32, #tpu.memory_space<vmem>>, vector<16xi32>,
    %swap3A_198 = vector.shape_cast %swap3A_197 : vector<16xi32> to vector<16xi32>
    %swap3A_199 = vector.shape_cast %shift_right_arithmetic3A_195 : vector<16xi32> to vector<16xi32>
    tpu.vector_store %arg8[%swap3A_196], %swap3A_199 {strides = array<i32>} : memref<128xi32, #tpu.memory_space<vmem>>, vector<16xi32>,
    %get3A_200 = arith.constant 320 : index
    %get3A_201 = tpu.vector_load %arg5[%get3A_200] {strides = array<i32>} : memref<512xi32, #tpu.memory_space<vmem>>, vector<16xi32>,
    %get3A_202 = vector.shape_cast %get3A_201 : vector<16xi32> to vector<16xi32>
    %shift_right_arithmetic3A_203 = arith.constant 1 : i32
    %shift_right_arithmetic3A_204 = vector.broadcast %shift_right_arithmetic3A_203 : i32 to vector<16xi32>
    %shift_right_arithmetic3A_205 = arith.shrsi %get3A_202, %shift_right_arithmetic3A_204 : vector<16xi32>
    %swap3A_206 = arith.constant 64 : index
    %swap3A_207 = tpu.vector_load %arg8[%swap3A_206] {strides = array<i32>} : memref<128xi32, #tpu.memory_space<vmem>>, vector<16xi32>,
    %swap3A_208 = vector.shape_cast %swap3A_207 : vector<16xi32> to vector<16xi32>
    %swap3A_209 = vector.shape_cast %shift_right_arithmetic3A_205 : vector<16xi32> to vector<16xi32>
    tpu.vector_store %arg8[%swap3A_206], %swap3A_209 {strides = array<i32>} : memref<128xi32, #tpu.memory_space<vmem>>, vector<16xi32>,
    %get3A_210 = arith.constant 336 : index
    %get3A_211 = tpu.vector_load %arg5[%get3A_210] {strides = array<i32>} : memref<512xi32, #tpu.memory_space<vmem>>, vector<16xi32>,
    %get3A_212 = vector.shape_cast %get3A_211 : vector<16xi32> to vector<16xi32>
    %shift_right_arithmetic3A_213 = arith.constant 1 : i32
    %shift_right_arithmetic3A_214 = vector.broadcast %shift_right_arithmetic3A_213 : i32 to vector<16xi32>
    %shift_right_arithmetic3A_215 = arith.shrsi %get3A_212, %shift_right_arithmetic3A_214 : vector<16xi32>
    %swap3A_216 = arith.constant 80 : index
    %swap3A_217 = tpu.vector_load %arg8[%swap3A_216] {strides = array<i32>} : memref<128xi32, #tpu.memory_space<vmem>>, vector<16xi32>,
    %swap3A_218 = vector.shape_cast %swap3A_217 : vector<16xi32> to vector<16xi32>
    %swap3A_219 = vector.shape_cast %shift_right_arithmetic3A_215 : vector<16xi32> to vector<16xi32>
    tpu.vector_store %arg8[%swap3A_216], %swap3A_219 {strides = array<i32>} : memref<128xi32, #tpu.memory_space<vmem>>, vector<16xi32>,
    %get3A_220 = arith.constant 352 : index
    %get3A_221 = tpu.vector_load %arg5[%get3A_220] {strides = array<i32>} : memref<512xi32, #tpu.memory_space<vmem>>, vector<16xi32>,
    %get3A_222 = vector.shape_cast %get3A_221 : vector<16xi32> to vector<16xi32>
    %shift_right_arithmetic3A_223 = arith.constant 1 : i32
    %shift_right_arithmetic3A_224 = vector.broadcast %shift_right_arithmetic3A_223 : i32 to vector<16xi32>
    %shift_right_arithmetic3A_225 = arith.shrsi %get3A_222, %shift_right_arithmetic3A_224 : vector<16xi32>
    %swap3A_226 = arith.constant 96 : index
    %swap3A_227 = tpu.vector_load %arg8[%swap3A_226] {strides = array<i32>} : memref<128xi32, #tpu.memory_space<vmem>>, vector<16xi32>,
    %swap3A_228 = vector.shape_cast %swap3A_227 : vector<16xi32> to vector<16xi32>
    %swap3A_229 = vector.shape_cast %shift_right_arithmetic3A_225 : vector<16xi32> to vector<16xi32>
    tpu.vector_store %arg8[%swap3A_226], %swap3A_229 {strides = array<i32>} : memref<128xi32, #tpu.memory_space<vmem>>, vector<16xi32>,
    %get3A_230 = arith.constant 368 : index
    %get3A_231 = tpu.vector_load %arg5[%get3A_230] {strides = array<i32>} : memref<512xi32, #tpu.memory_space<vmem>>, vector<16xi32>,
    %get3A_232 = vector.shape_cast %get3A_231 : vector<16xi32> to vector<16xi32>
    %shift_right_arithmetic3A_233 = arith.constant 1 : i32
    %shift_right_arithmetic3A_234 = vector.broadcast %shift_right_arithmetic3A_233 : i32 to vector<16xi32>
    %shift_right_arithmetic3A_235 = arith.shrsi %get3A_232, %shift_right_arithmetic3A_234 : vector<16xi32>
    %swap3A_236 = arith.constant 112 : index
    %swap3A_237 = tpu.vector_load %arg8[%swap3A_236] {strides = array<i32>} : memref<128xi32, #tpu.memory_space<vmem>>, vector<16xi32>,
    %swap3A_238 = vector.shape_cast %swap3A_237 : vector<16xi32> to vector<16xi32>
    %swap3A_239 = vector.shape_cast %shift_right_arithmetic3A_235 : vector<16xi32> to vector<16xi32>
    tpu.vector_store %arg8[%swap3A_236], %swap3A_239 {strides = array<i32>} : memref<128xi32, #tpu.memory_space<vmem>>, vector<16xi32>,
    %get3A_240 = arith.constant 384 : index
    %get3A_241 = tpu.vector_load %arg5[%get3A_240] {strides = array<i32>} : memref<512xi32, #tpu.memory_space<vmem>>, vector<16xi32>,
    %get3A_242 = vector.shape_cast %get3A_241 : vector<16xi32> to vector<16xi32>
    %shift_right_arithmetic3A_243 = arith.constant 1 : i32
    %shift_right_arithmetic3A_244 = vector.broadcast %shift_right_arithmetic3A_243 : i32 to vector<16xi32>
    %shift_right_arithmetic3A_245 = arith.shrsi %get3A_242, %shift_right_arithmetic3A_244 : vector<16xi32>
    %swap3A_246 = arith.constant 0 : index
    %swap3A_247 = tpu.vector_load %arg9[%swap3A_246] {strides = array<i32>} : memref<128xi32, #tpu.memory_space<vmem>>, vector<16xi32>,
    %swap3A_248 = vector.shape_cast %swap3A_247 : vector<16xi32> to vector<16xi32>
    %swap3A_249 = vector.shape_cast %shift_right_arithmetic3A_245 : vector<16xi32> to vector<16xi32>
    tpu.vector_store %arg9[%swap3A_246], %swap3A_249 {strides = array<i32>} : memref<128xi32, #tpu.memory_space<vmem>>, vector<16xi32>,
    %get3A_250 = arith.constant 400 : index
    %get3A_251 = tpu.vector_load %arg5[%get3A_250] {strides = array<i32>} : memref<512xi32, #tpu.memory_space<vmem>>, vector<16xi32>,
    %get3A_252 = vector.shape_cast %get3A_251 : vector<16xi32> to vector<16xi32>
    %shift_right_arithmetic3A_253 = arith.constant 1 : i32
    %shift_right_arithmetic3A_254 = vector.broadcast %shift_right_arithmetic3A_253 : i32 to vector<16xi32>
    %shift_right_arithmetic3A_255 = arith.shrsi %get3A_252, %shift_right_arithmetic3A_254 : vector<16xi32>
    %swap3A_256 = arith.constant 16 : index
    %swap3A_257 = tpu.vector_load %arg9[%swap3A_256] {strides = array<i32>} : memref<128xi32, #tpu.memory_space<vmem>>, vector<16xi32>,
    %swap3A_258 = vector.shape_cast %swap3A_257 : vector<16xi32> to vector<16xi32>
    %swap3A_259 = vector.shape_cast %shift_right_arithmetic3A_255 : vector<16xi32> to vector<16xi32>
    tpu.vector_store %arg9[%swap3A_256], %swap3A_259 {strides = array<i32>} : memref<128xi32, #tpu.memory_space<vmem>>, vector<16xi32>,
    %get3A_260 = arith.constant 416 : index
    %get3A_261 = tpu.vector_load %arg5[%get3A_260] {strides = array<i32>} : memref<512xi32, #tpu.memory_space<vmem>>, vector<16xi32>,
    %get3A_262 = vector.shape_cast %get3A_261 : vector<16xi32> to vector<16xi32>
    %shift_right_arithmetic3A_263 = arith.constant 1 : i32
    %shift_right_arithmetic3A_264 = vector.broadcast %shift_right_arithmetic3A_263 : i32 to vector<16xi32>
    %shift_right_arithmetic3A_265 = arith.shrsi %get3A_262, %shift_right_arithmetic3A_264 : vector<16xi32>
    %swap3A_266 = arith.constant 32 : index
    %swap3A_267 = tpu.vector_load %arg9[%swap3A_266] {strides = array<i32>} : memref<128xi32, #tpu.memory_space<vmem>>, vector<16xi32>,
    %swap3A_268 = vector.shape_cast %swap3A_267 : vector<16xi32> to vector<16xi32>
    %swap3A_269 = vector.shape_cast %shift_right_arithmetic3A_265 : vector<16xi32> to vector<16xi32>
    tpu.vector_store %arg9[%swap3A_266], %swap3A_269 {strides = array<i32>} : memref<128xi32, #tpu.memory_space<vmem>>, vector<16xi32>,
    %get3A_270 = arith.constant 432 : index
    %get3A_271 = tpu.vector_load %arg5[%get3A_270] {strides = array<i32>} : memref<512xi32, #tpu.memory_space<vmem>>, vector<16xi32>,
    %get3A_272 = vector.shape_cast %get3A_271 : vector<16xi32> to vector<16xi32>
    %shift_right_arithmetic3A_273 = arith.constant 1 : i32
    %shift_right_arithmetic3A_274 = vector.broadcast %shift_right_arithmetic3A_273 : i32 to vector<16xi32>
    %shift_right_arithmetic3A_275 = arith.shrsi %get3A_272, %shift_right_arithmetic3A_274 : vector<16xi32>
    %swap3A_276 = arith.constant 48 : index
    %swap3A_277 = tpu.vector_load %arg9[%swap3A_276] {strides = array<i32>} : memref<128xi32, #tpu.memory_space<vmem>>, vector<16xi32>,
    %swap3A_278 = vector.shape_cast %swap3A_277 : vector<16xi32> to vector<16xi32>
    %swap3A_279 = vector.shape_cast %shift_right_arithmetic3A_275 : vector<16xi32> to vector<16xi32>
    tpu.vector_store %arg9[%swap3A_276], %swap3A_279 {strides = array<i32>} : memref<128xi32, #tpu.memory_space<vmem>>, vector<16xi32>,
    %get3A_280 = arith.constant 448 : index
    %get3A_281 = tpu.vector_load %arg5[%get3A_280] {strides = array<i32>} : memref<512xi32, #tpu.memory_space<vmem>>, vector<16xi32>,
    %get3A_282 = vector.shape_cast %get3A_281 : vector<16xi32> to vector<16xi32>
    %shift_right_arithmetic3A_283 = arith.constant 1 : i32
    %shift_right_arithmetic3A_284 = vector.broadcast %shift_right_arithmetic3A_283 : i32 to vector<16xi32>
    %shift_right_arithmetic3A_285 = arith.shrsi %get3A_282, %shift_right_arithmetic3A_284 : vector<16xi32>
    %swap3A_286 = arith.constant 64 : index
    %swap3A_287 = tpu.vector_load %arg9[%swap3A_286] {strides = array<i32>} : memref<128xi32, #tpu.memory_space<vmem>>, vector<16xi32>,
    %swap3A_288 = vector.shape_cast %swap3A_287 : vector<16xi32> to vector<16xi32>
    %swap3A_289 = vector.shape_cast %shift_right_arithmetic3A_285 : vector<16xi32> to vector<16xi32>
    tpu.vector_store %arg9[%swap3A_286], %swap3A_289 {strides = array<i32>} : memref<128xi32, #tpu.memory_space<vmem>>, vector<16xi32>,
    %get3A_290 = arith.constant 464 : index
    %get3A_291 = tpu.vector_load %arg5[%get3A_290] {strides = array<i32>} : memref<512xi32, #tpu.memory_space<vmem>>, vector<16xi32>,
    %get3A_292 = vector.shape_cast %get3A_291 : vector<16xi32> to vector<16xi32>
    %shift_right_arithmetic3A_293 = arith.constant 1 : i32
    %shift_right_arithmetic3A_294 = vector.broadcast %shift_right_arithmetic3A_293 : i32 to vector<16xi32>
    %shift_right_arithmetic3A_295 = arith.shrsi %get3A_292, %shift_right_arithmetic3A_294 : vector<16xi32>
    %swap3A_296 = arith.constant 80 : index
    %swap3A_297 = tpu.vector_load %arg9[%swap3A_296] {strides = array<i32>} : memref<128xi32, #tpu.memory_space<vmem>>, vector<16xi32>,
    %swap3A_298 = vector.shape_cast %swap3A_297 : vector<16xi32> to vector<16xi32>
    %swap3A_299 = vector.shape_cast %shift_right_arithmetic3A_295 : vector<16xi32> to vector<16xi32>
    tpu.vector_store %arg9[%swap3A_296], %swap3A_299 {strides = array<i32>} : memref<128xi32, #tpu.memory_space<vmem>>, vector<16xi32>,
    %get3A_300 = arith.constant 480 : index
    %get3A_301 = tpu.vector_load %arg5[%get3A_300] {strides = array<i32>} : memref<512xi32, #tpu.memory_space<vmem>>, vector<16xi32>,
    %get3A_302 = vector.shape_cast %get3A_301 : vector<16xi32> to vector<16xi32>
    %shift_right_arithmetic3A_303 = arith.constant 1 : i32
    %shift_right_arithmetic3A_304 = vector.broadcast %shift_right_arithmetic3A_303 : i32 to vector<16xi32>
    %shift_right_arithmetic3A_305 = arith.shrsi %get3A_302, %shift_right_arithmetic3A_304 : vector<16xi32>
    %swap3A_306 = arith.constant 96 : index
    %swap3A_307 = tpu.vector_load %arg9[%swap3A_306] {strides = array<i32>} : memref<128xi32, #tpu.memory_space<vmem>>, vector<16xi32>,
    %swap3A_308 = vector.shape_cast %swap3A_307 : vector<16xi32> to vector<16xi32>
    %swap3A_309 = vector.shape_cast %shift_right_arithmetic3A_305 : vector<16xi32> to vector<16xi32>
    tpu.vector_store %arg9[%swap3A_306], %swap3A_309 {strides = array<i32>} : memref<128xi32, #tpu.memory_space<vmem>>, vector<16xi32>,
    %get3A_310 = arith.constant 496 : index
    %get3A_311 = tpu.vector_load %arg5[%get3A_310] {strides = array<i32>} : memref<512xi32, #tpu.memory_space<vmem>>, vector<16xi32>,
    %get3A_312 = vector.shape_cast %get3A_311 : vector<16xi32> to vector<16xi32>
    %shift_right_arithmetic3A_313 = arith.constant 1 : i32
    %shift_right_arithmetic3A_314 = vector.broadcast %shift_right_arithmetic3A_313 : i32 to vector<16xi32>
    %shift_right_arithmetic3A_315 = arith.shrsi %get3A_312, %shift_right_arithmetic3A_314 : vector<16xi32>
    %swap3A_316 = arith.constant 112 : index
    %swap3A_317 = tpu.vector_load %arg9[%swap3A_316] {strides = array<i32>} : memref<128xi32, #tpu.memory_space<vmem>>, vector<16xi32>,
    %swap3A_318 = vector.shape_cast %swap3A_317 : vector<16xi32> to vector<16xi32>
    %swap3A_319 = vector.shape_cast %shift_right_arithmetic3A_315 : vector<16xi32> to vector<16xi32>
    tpu.vector_store %arg9[%swap3A_316], %swap3A_319 {strides = array<i32>} : memref<128xi32, #tpu.memory_space<vmem>>, vector<16xi32>,
    %dma_start3A = arith.constant 0 : i32
    %dma_start3A_320 = arith.constant 0 : i32
    %dma_start3A_321 = tpu.memref_slice %arg3[%dma_start3A, %dma_start3A_320] : memref<500000x128xf32, #tpu.memory_space<hbm>> -> memref<500000x128xf32, #tpu.memory_space<hbm>>
    tpu.enqueue_indirect_dma source(%dma_start3A_321 : memref<500000x128xf32, #tpu.memory_space<hbm>>) target(%arg10 : memref<128x128xf32, #tpu.memory_space<vmem>>) offsets(%arg6 : memref<128xi32, #tpu.memory_space<vmem>>) semaphore(%arg14 : memref<!tpu.dma_semaphore, #tpu.memory_space<semaphore_mem>>)
    %dma_start3A_322 = arith.constant 0 : i32
    %dma_start3A_323 = arith.constant 0 : i32
    %dma_start3A_324 = tpu.memref_slice %arg3[%dma_start3A_322, %dma_start3A_323] : memref<500000x128xf32, #tpu.memory_space<hbm>> -> memref<500000x128xf32, #tpu.memory_space<hbm>>
    tpu.enqueue_indirect_dma source(%dma_start3A_324 : memref<500000x128xf32, #tpu.memory_space<hbm>>) target(%arg11 : memref<128x128xf32, #tpu.memory_space<vmem>>) offsets(%arg7 : memref<128xi32, #tpu.memory_space<vmem>>) semaphore(%arg14 : memref<!tpu.dma_semaphore, #tpu.memory_space<semaphore_mem>>)
    %dma_start3A_325 = arith.constant 0 : i32
    %dma_start3A_326 = arith.constant 0 : i32
    %dma_start3A_327 = tpu.memref_slice %arg3[%dma_start3A_325, %dma_start3A_326] : memref<500000x128xf32, #tpu.memory_space<hbm>> -> memref<500000x128xf32, #tpu.memory_space<hbm>>
    tpu.enqueue_indirect_dma source(%dma_start3A_327 : memref<500000x128xf32, #tpu.memory_space<hbm>>) target(%arg12 : memref<128x128xf32, #tpu.memory_space<vmem>>) offsets(%arg8 : memref<128xi32, #tpu.memory_space<vmem>>) semaphore(%arg14 : memref<!tpu.dma_semaphore, #tpu.memory_space<semaphore_mem>>)
    %dma_start3A_328 = arith.constant 0 : i32
    %dma_start3A_329 = arith.constant 0 : i32
    %dma_start3A_330 = tpu.memref_slice %arg3[%dma_start3A_328, %dma_start3A_329] : memref<500000x128xf32, #tpu.memory_space<hbm>> -> memref<500000x128xf32, #tpu.memory_space<hbm>>
    tpu.enqueue_indirect_dma source(%dma_start3A_330 : memref<500000x128xf32, #tpu.memory_space<hbm>>) target(%arg13 : memref<128x128xf32, #tpu.memory_space<vmem>>) offsets(%arg9 : memref<128xi32, #tpu.memory_space<vmem>>) semaphore(%arg14 : memref<!tpu.dma_semaphore, #tpu.memory_space<semaphore_mem>>)
    %dma_wait3A = arith.constant 0 : i32
    %dma_wait3A_331 = arith.constant 0 : i32
    %dma_wait3A_332 = tpu.memref_slice %arg3[%dma_wait3A, %dma_wait3A_331] : memref<500000x128xf32, #tpu.memory_space<hbm>> -> memref<500000x128xf32, #tpu.memory_space<hbm>>
    tpu.wait_indirect_dma semaphore(%arg14 : memref<!tpu.dma_semaphore, #tpu.memory_space<semaphore_mem>>) src(%dma_wait3A_332 : memref<500000x128xf32, #tpu.memory_space<hbm>>) dst(%arg10 : memref<128x128xf32, #tpu.memory_space<vmem>>)
    %add3A_333 = arith.constant 0 : i32
    %add3A_334 = arith.addi %mul3A_2, %add3A_333 : i32
    "tpu.region"() ({
      %run_scoped3A = tpu.sem_alloc : memref<!tpu.dma_semaphore, #tpu.memory_space<semaphore_mem>>
      %dma_start3A_350 = arith.constant 0 : i32
      %dma_start3A_351 = tpu.memref_slice %arg4[%add3A_334, %dma_start3A_350] : memref<16384x128xf32, #tpu.memory_space<hbm>> -> memref<128x128xf32, #tpu.memory_space<hbm>>
      %dma_start3A_352 = arith.constant 0 : i32
      %dma_start3A_353 = tpu.memref_slice %arg4[%add3A_334, %dma_start3A_352] : memref<16384x128xf32, #tpu.memory_space<hbm>> -> memref<128x128xf32, #tpu.memory_space<hbm>>
      tpu.enqueue_dma source(%arg10 : memref<128x128xf32, #tpu.memory_space<vmem>>) target(%dma_start3A_353 : memref<128x128xf32, #tpu.memory_space<hbm>>) target_semaphore(%run_scoped3A : memref<!tpu.dma_semaphore, #tpu.memory_space<semaphore_mem>>)
      %dma_wait3A_354 = arith.constant 0 : i32
      %dma_wait3A_355 = tpu.memref_slice %arg4[%add3A_334, %dma_wait3A_354] : memref<16384x128xf32, #tpu.memory_space<hbm>> -> memref<128x128xf32, #tpu.memory_space<hbm>>
      %dma_wait3A_356 = arith.constant 0 : i32
      %dma_wait3A_357 = tpu.memref_slice %arg4[%add3A_334, %dma_wait3A_356] : memref<16384x128xf32, #tpu.memory_space<hbm>> -> memref<128x128xf32, #tpu.memory_space<hbm>>
      tpu.wait_dma2 semaphore(%run_scoped3A : memref<!tpu.dma_semaphore, #tpu.memory_space<semaphore_mem>>) src(%arg10 : memref<128x128xf32, #tpu.memory_space<vmem>>) dst(%dma_wait3A_357 : memref<128x128xf32, #tpu.memory_space<hbm>>)
      tpu.yield
    }) : () -> ()
    %dma_wait3A_335 = arith.constant 0 : i32
    %dma_wait3A_336 = arith.constant 0 : i32
    %dma_wait3A_337 = tpu.memref_slice %arg3[%dma_wait3A_335, %dma_wait3A_336] : memref<500000x128xf32, #tpu.memory_space<hbm>> -> memref<500000x128xf32, #tpu.memory_space<hbm>>
    tpu.wait_indirect_dma semaphore(%arg14 : memref<!tpu.dma_semaphore, #tpu.memory_space<semaphore_mem>>) src(%dma_wait3A_337 : memref<500000x128xf32, #tpu.memory_space<hbm>>) dst(%arg11 : memref<128x128xf32, #tpu.memory_space<vmem>>)
    %add3A_338 = arith.constant 128 : i32
    %add3A_339 = arith.addi %mul3A_2, %add3A_338 : i32
    "tpu.region"() ({
      %run_scoped3A = tpu.sem_alloc : memref<!tpu.dma_semaphore, #tpu.memory_space<semaphore_mem>>
      %dma_start3A_350 = arith.constant 0 : i32
      %dma_start3A_351 = tpu.memref_slice %arg4[%add3A_339, %dma_start3A_350] : memref<16384x128xf32, #tpu.memory_space<hbm>> -> memref<128x128xf32, #tpu.memory_space<hbm>>
      %dma_start3A_352 = arith.constant 0 : i32
      %dma_start3A_353 = tpu.memref_slice %arg4[%add3A_339, %dma_start3A_352] : memref<16384x128xf32, #tpu.memory_space<hbm>> -> memref<128x128xf32, #tpu.memory_space<hbm>>
      tpu.enqueue_dma source(%arg11 : memref<128x128xf32, #tpu.memory_space<vmem>>) target(%dma_start3A_353 : memref<128x128xf32, #tpu.memory_space<hbm>>) target_semaphore(%run_scoped3A : memref<!tpu.dma_semaphore, #tpu.memory_space<semaphore_mem>>)
      %dma_wait3A_354 = arith.constant 0 : i32
      %dma_wait3A_355 = tpu.memref_slice %arg4[%add3A_339, %dma_wait3A_354] : memref<16384x128xf32, #tpu.memory_space<hbm>> -> memref<128x128xf32, #tpu.memory_space<hbm>>
      %dma_wait3A_356 = arith.constant 0 : i32
      %dma_wait3A_357 = tpu.memref_slice %arg4[%add3A_339, %dma_wait3A_356] : memref<16384x128xf32, #tpu.memory_space<hbm>> -> memref<128x128xf32, #tpu.memory_space<hbm>>
      tpu.wait_dma2 semaphore(%run_scoped3A : memref<!tpu.dma_semaphore, #tpu.memory_space<semaphore_mem>>) src(%arg11 : memref<128x128xf32, #tpu.memory_space<vmem>>) dst(%dma_wait3A_357 : memref<128x128xf32, #tpu.memory_space<hbm>>)
      tpu.yield
    }) : () -> ()
    %dma_wait3A_340 = arith.constant 0 : i32
    %dma_wait3A_341 = arith.constant 0 : i32
    %dma_wait3A_342 = tpu.memref_slice %arg3[%dma_wait3A_340, %dma_wait3A_341] : memref<500000x128xf32, #tpu.memory_space<hbm>> -> memref<500000x128xf32, #tpu.memory_space<hbm>>
    tpu.wait_indirect_dma semaphore(%arg14 : memref<!tpu.dma_semaphore, #tpu.memory_space<semaphore_mem>>) src(%dma_wait3A_342 : memref<500000x128xf32, #tpu.memory_space<hbm>>) dst(%arg12 : memref<128x128xf32, #tpu.memory_space<vmem>>)
    %add3A_343 = arith.constant 256 : i32
    %add3A_344 = arith.addi %mul3A_2, %add3A_343 : i32
    "tpu.region"() ({
      %run_scoped3A = tpu.sem_alloc : memref<!tpu.dma_semaphore, #tpu.memory_space<semaphore_mem>>
      %dma_start3A_350 = arith.constant 0 : i32
      %dma_start3A_351 = tpu.memref_slice %arg4[%add3A_344, %dma_start3A_350] : memref<16384x128xf32, #tpu.memory_space<hbm>> -> memref<128x128xf32, #tpu.memory_space<hbm>>
      %dma_start3A_352 = arith.constant 0 : i32
      %dma_start3A_353 = tpu.memref_slice %arg4[%add3A_344, %dma_start3A_352] : memref<16384x128xf32, #tpu.memory_space<hbm>> -> memref<128x128xf32, #tpu.memory_space<hbm>>
      tpu.enqueue_dma source(%arg12 : memref<128x128xf32, #tpu.memory_space<vmem>>) target(%dma_start3A_353 : memref<128x128xf32, #tpu.memory_space<hbm>>) target_semaphore(%run_scoped3A : memref<!tpu.dma_semaphore, #tpu.memory_space<semaphore_mem>>)
      %dma_wait3A_354 = arith.constant 0 : i32
      %dma_wait3A_355 = tpu.memref_slice %arg4[%add3A_344, %dma_wait3A_354] : memref<16384x128xf32, #tpu.memory_space<hbm>> -> memref<128x128xf32, #tpu.memory_space<hbm>>
      %dma_wait3A_356 = arith.constant 0 : i32
      %dma_wait3A_357 = tpu.memref_slice %arg4[%add3A_344, %dma_wait3A_356] : memref<16384x128xf32, #tpu.memory_space<hbm>> -> memref<128x128xf32, #tpu.memory_space<hbm>>
      tpu.wait_dma2 semaphore(%run_scoped3A : memref<!tpu.dma_semaphore, #tpu.memory_space<semaphore_mem>>) src(%arg12 : memref<128x128xf32, #tpu.memory_space<vmem>>) dst(%dma_wait3A_357 : memref<128x128xf32, #tpu.memory_space<hbm>>)
      tpu.yield
    }) : () -> ()
    %dma_wait3A_345 = arith.constant 0 : i32
    %dma_wait3A_346 = arith.constant 0 : i32
    %dma_wait3A_347 = tpu.memref_slice %arg3[%dma_wait3A_345, %dma_wait3A_346] : memref<500000x128xf32, #tpu.memory_space<hbm>> -> memref<500000x128xf32, #tpu.memory_space<hbm>>
    tpu.wait_indirect_dma semaphore(%arg14 : memref<!tpu.dma_semaphore, #tpu.memory_space<semaphore_mem>>) src(%dma_wait3A_347 : memref<500000x128xf32, #tpu.memory_space<hbm>>) dst(%arg13 : memref<128x128xf32, #tpu.memory_space<vmem>>)
    %add3A_348 = arith.constant 384 : i32
    %add3A_349 = arith.addi %mul3A_2, %add3A_348 : i32
    "tpu.region"() ({
      %run_scoped3A = tpu.sem_alloc : memref<!tpu.dma_semaphore, #tpu.memory_space<semaphore_mem>>
      %dma_start3A_350 = arith.constant 0 : i32
      %dma_start3A_351 = tpu.memref_slice %arg4[%add3A_349, %dma_start3A_350] : memref<16384x128xf32, #tpu.memory_space<hbm>> -> memref<128x128xf32, #tpu.memory_space<hbm>>
      %dma_start3A_352 = arith.constant 0 : i32
      %dma_start3A_353 = tpu.memref_slice %arg4[%add3A_349, %dma_start3A_352] : memref<16384x128xf32, #tpu.memory_space<hbm>> -> memref<128x128xf32, #tpu.memory_space<hbm>>
      tpu.enqueue_dma source(%arg13 : memref<128x128xf32, #tpu.memory_space<vmem>>) target(%dma_start3A_353 : memref<128x128xf32, #tpu.memory_space<hbm>>) target_semaphore(%run_scoped3A : memref<!tpu.dma_semaphore, #tpu.memory_space<semaphore_mem>>)
      %dma_wait3A_354 = arith.constant 0 : i32
      %dma_wait3A_355 = tpu.memref_slice %arg4[%add3A_349, %dma_wait3A_354] : memref<16384x128xf32, #tpu.memory_space<hbm>> -> memref<128x128xf32, #tpu.memory_space<hbm>>
      %dma_wait3A_356 = arith.constant 0 : i32
      %dma_wait3A_357 = tpu.memref_slice %arg4[%add3A_349, %dma_wait3A_356] : memref<16384x128xf32, #tpu.memory_space<hbm>> -> memref<128x128xf32, #tpu.memory_space<hbm>>
      tpu.wait_dma2 semaphore(%run_scoped3A : memref<!tpu.dma_semaphore, #tpu.memory_space<semaphore_mem>>) src(%arg13 : memref<128x128xf32, #tpu.memory_space<vmem>>) dst(%dma_wait3A_357 : memref<128x128xf32, #tpu.memory_space<hbm>>)
      tpu.yield
    }) : () -> ()
    return
  }
}

</mosaic_0001>

<sc_bundles>
// kernel: kernel.3.cloned.1.call-start
scs
__scs_entry_jumppad:
0x0: {  	(pc) =	sbr.rel $0x88, $3  }
0x1: {  	(tag) =	ssettag $0x0;
	lr =	simm.s32 $0x1  }
0x2: {  	[smem:$0x3F9F] =	sst lr;
	_ =	strace $0xD0000000  }
0x3: {  	_ = 	snop  }
0x4: {  	_ = 	snop  }
0x5: {  	_ = 	snop  }
0x6: {  	_ = 	snop  }
0x7: {  	_ = 	snop  }
__scs_overlays_trampoline_lowered:
0x8: {  	[smem:$0x3FAE] =	sst s0  }
0x9: {  	[smem:$0x3FAF] =	sst s1  }
0xa: {  	[smem:$0x3FB0] =	sst s2  }
0xb: {  	[smem:$0x3FB1] =	sst s3  }
0xc: {  	[smem:$0x3FB2] =	sst s4  }
0xd: {  	[smem:$0x3FB3] =	sst s5  }
0xe: {  	[smem:$0x3FB4] =	sst s6  }
0xf: {  	[smem:$0x3FB5] =	sst s7  }
0x10: {  	[smem:$0x3FB6] =	sst s8  }
0x11: {  	[smem:$0x3FB7] =	sst s9;
	s0 =	simm.s32 @!p0 $0x0  }
0x12: {  	s1 =	sld [smem:$0x3F9D];
	s0 =	simm.s32 @p0 $0x1  }
0x13: {  	[smem:$0x3FB8] =	sst s0;
	s0 =	simm.s32 @!p1 $0x0  }
0x14: {  	s2 =	sld [smem:$0x3F9C];
	s0 =	simm.s32 @p1 $0x1  }
0x15: {  	[smem:$0x3FB9] =	sst s0;
	s0 =	simm.s32 @!p2 $0x0  }
0x16: {  	s3 =	sld [smem:$0x3FDB];
	s0 =	simm.s32 @p2 $0x1  }
0x17: {  	s4 =	simm.s32 $0x1BF5;
	[smem:$0x3FBB] =	sst s0  }
0x18: {  	s0 =	sld [smem:$0x3F9E];
	_ =	swait.ge [sflag:s4], $0x0  }
0x19: {  	s7 =	sld [smem:$0x3F9F]  }
0x1a: {  	s8 =	sadd.s32 $0xFFFFE003, lr  }
0x1b: {  	s9 =	sadd.s32 $0xFFFFFEF7, lr;
	s5 =	simm.s32 $0xFFFFFFFF;
	p2 =	slt.u32 s8, $0xFFFFF086  }
0x1c: {  	p1 =	slt.u32 s9, $0xF7A;
	s5 =	simm.s32 @!p2 $0x0  }
0x1d: {  	s5 =	simm.s32 @p1 $0x1;
	p0 =	seq.s32 s7, s2  }
0x1e: {  	s7 =	smul.u32 @!p0 $0xF7A, s2;
	p2 =	seq.s32 @!p0 s5, $0x0  }
0x1f: {  	s9 =	smul.u32 $0xF7A, s1;
	s8 =	simm.s32 @!p0 $0x1BF5;
	p2 =	por !p2, p0  }
0x20: {  	[sflag:s8] =	ssyncset.s32 @!p0 $0xFFFFF086;
	s6 =	sadd.s32 @!p0 s3, s7;
	s7 =	simm.s32 @!p0 $0x108  }
0x21: {  	s3 =	sadd.s32 s3, s9;
	s6 =	sadd.s32 @!p0 $0x88, s6;
	s7 =	simm.s32 @p2 $0x1082  }
0x22: {  	[simem:s7], [sflag:s8] =	dma.local @!p0 [hbm:s6], $0xF7A  }
0x23: {  	s9 =	sor.u32 $0xD0000000, s2;
	s6 =	simm.s32 $0x108;
	_ =	swait.ge @!p0 [sflag:s8], $0x0  }
0x24: {  	s3 =	sadd.s32 $0x88, s3;
	s6 =	simm.s32 @!p1 $0x1082;
	[sflag:s4] =	ssyncset.s32 $0xFFFFF086  }
0x25: {  	[simem:s6], [sflag:s4] =	dma.local [hbm:s3], $0xF7A  }
0x26: {  	[smem:$0x3F9F] =	sst s1;
	(tag) =	ssettag s2;
	_ =	strace s9  }
0x27: {  	s1 =	sld [smem:$0x3FAF]  }
0x28: {  	s2 =	sld [smem:$0x3FB0]  }
0x29: {  	s4 =	sld [smem:$0x3FB2]  }
0x2a: {  	p0 =	seq.s32 s5, $0x0;
	s5 =	sld [smem:$0x3FB3]  }
0x2b: {  	s6 =	sld [smem:$0x3FB4]  }
0x2c: {  	s7 =	sld [smem:$0x3FB5]  }
0x2d: {  	s3 =	simm.s32 $0x108;
	s8 =	sld [smem:$0x3FB6]  }
0x2e: {  	s3 =	simm.s32 @!p0 $0x1082;
	s9 =	sld [smem:$0x3FB7]  }
0x2f: {  	lr =	sadd.s32 s0, s3;
	s0 =	sld [smem:$0x3FAE]  }
0x30: {  	s3 =	sld [smem:$0x3FB1]  }
0x31: {  	[smem:$0x3FBA] =	sst s10  }
0x32: {  	s10 =	sld [smem:$0x3FB8];
	_ =	sdelay $0x3  }
0x33: {  	p0 =	seq.s32 s10, $0x1;
	s10 =	sld [smem:$0x3FBA];
	_ =	sdelay $0x3  }
0x34: {  	[smem:$0x3FBA] =	sst s10  }
0x35: {  	s10 =	sld [smem:$0x3FB9];
	_ =	sdelay $0x3  }
0x36: {  	p1 =	seq.s32 s10, $0x1;
	s10 =	sld [smem:$0x3FBA];
	_ =	sdelay $0x3  }
0x37: {  	[smem:$0x3FBA] =	sst s10  }
0x38: {  	s10 =	sld [smem:$0x3FBB]  }
0x39: {  	_ = 	snop;
	(pc) =	sbr.ind lr, $3  }
0x3a: {  	_ = 	snop  }
0x3b: {  	_ = 	snop  }
0x3c: {  	p2 =	seq.s32 s10, $0x1;
	s10 =	sld [smem:$0x3FBA]  }
0x3d: {  	_ =	shalt  }
0x3e: {  	_ =	shalt  }
0x3f: {  	_ =	shalt  }
0x40: {  	_ =	shalt  }
0x41: {  	_ =	shalt  }
0x42: {  	_ =	shalt  }
0x43: {  	_ =	shalt  }
0x44: {  	_ =	shalt  }
0x45: {  	_ =	shalt  }
0x46: {  	_ =	shalt  }
0x47: {  	_ =	shalt  }
0x48: {  	_ =	shalt  }
0x49: {  	_ =	shalt  }
0x4a: {  	_ =	shalt  }
0x4b: {  	_ =	shalt  }
0x4c: {  	_ =	shalt  }
0x4d: {  	_ =	shalt  }
0x4e: {  	_ =	shalt  }
0x4f: {  	_ =	shalt  }
0x50: {  	_ =	shalt  }
0x51: {  	_ =	shalt  }
0x52: {  	_ =	shalt  }
0x53: {  	_ =	shalt  }
0x54: {  	_ =	shalt  }
0x55: {  	_ =	shalt  }
0x56: {  	_ =	shalt  }
0x57: {  	_ =	shalt  }
0x58: {  	_ =	shalt  }
0x59: {  	_ =	shalt  }
0x5a: {  	_ =	shalt  }
0x5b: {  	_ =	shalt  }
0x5c: {  	_ =	shalt  }
0x5d: {  	_ =	shalt  }
0x5e: {  	_ =	shalt  }
0x5f: {  	_ =	shalt  }
0x60: {  	_ =	shalt  }
0x61: {  	_ =	shalt  }
0x62: {  	_ =	shalt  }
0x63: {  	_ =	shalt  }
0x64: {  	_ =	shalt  }
0x65: {  	_ =	shalt  }
0x66: {  	_ =	shalt  }
0x67: {  	_ =	shalt  }
0x68: {  	_ =	shalt  }
0x69: {  	_ =	shalt  }
0x6a: {  	_ =	shalt  }
0x6b: {  	_ =	shalt  }
0x6c: {  	_ =	shalt  }
0x6d: {  	_ =	shalt  }
0x6e: {  	_ =	shalt  }
0x6f: {  	_ =	shalt  }
0x70: {  	_ =	shalt  }
0x71: {  	_ =	shalt  }
0x72: {  	_ =	shalt  }
0x73: {  	_ =	shalt  }
0x74: {  	_ =	shalt  }
0x75: {  	_ =	shalt  }
0x76: {  	_ =	shalt  }
0x77: {  	_ =	shalt  }
0x78: {  	_ =	shalt  }
0x79: {  	_ =	shalt  }
0x7a: {  	_ =	shalt  }
0x7b: {  	_ =	shalt  }
0x7c: {  	_ =	shalt  }
0x7d: {  	_ =	shalt  }
0x7e: {  	_ =	shalt  }
0x7f: {  	_ =	shalt  }
0x80: {  	_ =	shalt  }
0x81: {  	_ =	shalt  }
0x82: {  	_ =	shalt  }
0x83: {  	_ =	shalt  }
0x84: {  	_ =	shalt  }
0x85: {  	_ =	shalt  }
0x86: {  	_ =	shalt  }
0x87: {  	_ =	shalt  }
.Lfunc_end0:
.L_simem_size_0:
called_computation.2_lowered:
.L_overlay_start_0:
0x88: {  	s2 =	sld [smem:$0x3FD9]  }
0x89: {  	s3 =	sld [smem:$0x3FFE];
	_ =	sdelay $0x1  }
0x8a: {  	s1 =	srdreg.scid  }
0x8b: {  	s0 =	sand.u32 $0x1, s1  }
0x8c: {  	s17 =	sshll.u32 s0, $0xA;
	s2 =	sadd.s32 s3, s2  }
0x8d: {  	s2 =	sadd.s32 s2, s17  }
0x8e: {  	[smem:$0x3FC6] =	sst s2  }
0x8f: {  	_ = 	snop  }
0x90: {  	s2 =	sld [smem:$0x3FC9];
	(tm) =	ssettm $0x1  }
0x91: {  	s18 =	sld [smem:$0x3FFB];
	_ =	sdelay $0x3  }
0x92: {  	_ =	strace s18  }
0x93: {  	s3 =	sld [smem:$0x3FFC];
	_ =	sdelay $0x3  }
0x94: {  	_ =	strace s3  }
0x95: {  	s3 =	sld [smem:$0x3FFD];
	_ =	sdelay $0x3  }
0x96: {  	_ =	strace s3  }
0x97: {  	_ =	strace $0x8FFFFFFF  }
0x98: {  	s19 =	sld [smem:$0x3FDB];
	_ =	sdelay $0x1  }
0x99: {  	s4 =	simm.s32 $_scs_section_size  }
0x9a: {  	s5 =	simm.s32 $_size__tile_overlayer_lowered;
	s6 =	simm.s32 $_tile_overlayer_lowered  }
0x9b: {  	s22 =	simm.s32 $0x1BFF;
	s21 =	sshll.u32 s6, $0x1;
	s3 =	sadd.s32 s4, s19  }
0x9c: {  	s7 =	simm.s32 $0x0;
	s20 =	sshll.u32 s5, $0x1;
	s5 =	sadd.s32 s21, s3  }
0x9d: {  	[timem:s7], [sflag:s22] =	dma.local [hbm:s5], s20  }
0x9e: {  	_ =	swait.ge [sflag:s22], s20  }
0x9f: {  	s4 =	ssub.s32 $0x0, s20;
	[sflag:s22] =	ssyncset.done $0x0  }
0xa0: {  	[sflag:s22] =	ssyncadd.s32 s4;
	_ =	sdelay $0x1  }
0xa1: {  	s23 =	simm.s32 $0x1B8B  }
0xa2: {  	_ =	swait.ge [sflag:s23], $0x1  }
0xa3: {  	[sflag:s23] =	ssyncset.done $0x0  }
0xa4: {  	s25 =	simm.s32 $0x1B8E;
	s24 =	sld [smem:$0x3FFE];
	[sflag:s23] =	ssyncadd.s32 $0xFFFFFFFF  }
0xa5: {  	s26 =	simm.s32 $execute0_lowered;
	[smem:$0x3FD2] =	sst s25  }
0xa6: {  	s5 =	sshll.u32 s26, $0x1;
	_ =	strace $0x8000004C;
	[dreg:$0x1] =	wrdreg $0xFFFFFFFF  }
0xa7: {  	s28 =	simm.s32 $_size_execute0_lowered;
	s3 =	sadd.s32 s3, s5;
	[dreg:$0x0] =	wrdreg $0x0  }
0xa8: {  	s5 =	sshll.u32 s28, $0x1;
	[dreg:$0x2] =	wrdreg s3  }
0xa9: {  	[dreg:$0x3] =	wrdreg s5  }
0xaa: {  	[dreg:$0x4] =	wrdreg $0xC0  }
0xab: {  	_ =	task [dreg:s7], $0x5FFFF  }
0xac: {  	[dreg:$0x1] =	wrdreg $0xFFFFFFFF  }
0xad: {  	[dreg:$0x0] =	wrdreg $0x60  }
0xae: {  	[dreg:$0x2] =	wrdreg s2  }
0xaf: {  	[dreg:$0x3] =	wrdreg s24  }
0xb0: {  	[dreg:$0x4] =	wrdreg $0x9  }
0xb1: {  	_ =	task.clear_ibuf [dreg:s7], $0x5FFFF;
	_ =	strace $0x9000004C  }
0xb2: {  	s29 =	simm.s32 $0x9;
	_ =	strace $0x8000004E  }
0xb3: {  	_ =	swait.ge [sflag:s29], $0x1  }
0xb4: {  	[sflag:s29] =	ssyncadd.s32 $0xFFFFFFFF  }
0xb5: {  	_ =	strace $0x9000004E  }
0xb6: {  	_ =	sfence  }
0xb7: {  	s30 =	sld [smem:$0x0];
	_ =	sdelay $0x2  }
0xb8: {  	s31 =	sshll.u32 s1, $0xD;
	s1 =	sshrl.u32 s1, $0x2  }
0xb9: {  	s3 =	sand.u32 $0x4000, s31;
	s1 =	sadd.s32 s1, s30  }
0xba: {  	s0 =	sor.u32 s3, s0;
	s1 =	sshll.u32 s1, $0x11  }
0xbb: {  	s0 =	sor.u32 s1, s0  }
0xbc: {  	s0 =	sadd.s32 $0x8F2B, s0  }
0xbd: {  	[sflag:s0] =	ssyncadd.remote.s32 $0x1  }
0xbe: {  	_ =	sfence.sel $0xFFFF  }
0xbf: {  	[dreg:$0x0] =	wrdreg $0xFFFFFFFF;
	(pc) =	sbr.abs _section_cstart, $3  }
0xc0: {  	[dreg:$0x1] =	wrdreg $0xFFFFFFFF  }
0xc1: {  	_ =	task.clear_ibuf [dreg:s7], $0x2FFFF;
	_ =	strace $0x9FFFFFFF  }
0xc2: {  	(tm) =	ssettm $0x7FFFFFFF  }
0xc3: {  	_ =	shalt  }
tec
execute0_lowered:
.L_overlay_start_1:
0x0: {  	(tag) =	ssettag $0x1  }
0x1: {  	s1 =	srdreg.scid  }
0x2: {  	s3 =	rddreg [dreg:$0x0];
	s0 =	stileid.u32;
	s6 =	sand.u32 $0x1, s1  }
0x3: {  	s5 =	rddreg [dreg:$0x1];
	s4 =	sshll.u32 s0, $0xA;
	s7 =	sshll.u32 s6, $0x9  }
0x4: {  	s2 =	simm.s32 $0x0;
	s1 =	rddreg [dreg:$0x2];
	s7 =	sor.u32 s7, s4  }
0x5: {  	[smem:$0x7FF] =	sst s2;
	s4 =	sshrl.u32 s7, $0x3  }
0x6: {  	_ =	strace $0x8000004D;
	s4 =	sadd.s32 s3, s4;
	s3 =	simm.s32 $0x2  }
0x7: {  	[tilespmem:s2], [sflag:$0x2] =	stream.linear.gather [hbm4b:s4+s2], $0x200, $0x38;
	[tilespmem:$0x10400] =	vst v63  }
0x8: {  	_ =	swait.ge [sflag:s3], $0x200  }
0x9: {  	[sflag:s3] =	ssyncset.done $0x0  }
0xa: {  	[sflag:s3] =	ssyncadd.s32 $0xFFFFFE00  }
0xb: {  	v0 =	vld [tilespmem:$0x1F0]  }
0xc: {  	v1 =	vld [tilespmem:$0x1E0]  }
0xd: {  	v2 =	vld [tilespmem:$0x130]  }
0xe: {  	v3 =	vld [tilespmem:$0x1D0]  }
0xf: {  	v4 =	vld [tilespmem:$0x1C0]  }
0x10: {  	v5 =	vld [tilespmem:$0x1B0];
	v0 =	vshra.s32 v0, $0x1  }
0x11: {  	v6 =	vld [tilespmem:$0x190];
	v1 =	vshra.s32 v1, $0x1;
	[tilespmem:$0x3F0] =	vst v0  }
0x12: {  	v29 =	vld [tilespmem:$0x180];
	v28 =	vshra.s32 v2, $0x1;
	[tilespmem:$0x3E0] =	vst v1  }
0x13: {  	v32 =	vld [tilespmem:$0x160];
	v31 =	vshra.s32 v3, $0x1;
	[tilespmem:$0x330] =	vst v28  }
0x14: {  	v35 =	vld [tilespmem:$0xB0];
	v4 =	vshra.s32 v4, $0x1;
	[tilespmem:$0x3D0] =	vst v31  }
0x15: {  	v36 =	vld [tilespmem:$0x120];
	v5 =	vshra.s32 v5, $0x1;
	[tilespmem:$0x3C0] =	vst v4  }
0x16: {  	v44 =	vld [tilespmem:$0x30];
	v6 =	vshra.s32 v6, $0x1;
	[tilespmem:$0x3B0] =	vst v5  }
0x17: {  	v50 =	vld [tilespmem:$0x50];
	v2 =	vshra.s32 v29, $0x1;
	[tilespmem:$0x390] =	vst v6  }
0x18: {  	v52 =	vld [tilespmem:$0x1A0];
	v3 =	vshra.s32 v32, $0x1;
	[tilespmem:$0x380] =	vst v2  }
0x19: {  	v53 =	vld [tilespmem:$0x20];
	v40 =	vshra.s32 v35, $0x1;
	[tilespmem:$0x360] =	vst v3  }
0x1a: {  	v54 =	vld [tilespmem:$0x10];
	v43 =	vshra.s32 v36, $0x1;
	[tilespmem:$0x2B0] =	vst v40  }
0x1b: {  	v56 =	vld [tilespmem:$0xF0];
	v49 =	vshra.s32 v44, $0x1;
	[tilespmem:$0x320] =	vst v43  }
0x1c: {  	v58 =	vld [tilespmem:$0x0];
	v55 =	vshra.s32 v50, $0x1;
	[tilespmem:$0x230] =	vst v49  }
0x1d: {  	v30 =	vld [tilespmem:$0x170];
	v59 =	vshra.s32 v52, $0x1;
	[tilespmem:$0x250] =	vst v55  }
0x1e: {  	v33 =	vld [tilespmem:$0x150];
	v60 =	vshra.s32 v53, $0x1;
	[tilespmem:$0x3A0] =	vst v59  }
0x1f: {  	v34 =	vld [tilespmem:$0x140];
	v61 =	vshra.s32 v54, $0x1;
	[tilespmem:$0x220] =	vst v60  }
0x20: {  	v37 =	vld [tilespmem:$0x110];
	v62 =	vshra.s32 v56, $0x1;
	[tilespmem:$0x210] =	vst v61  }
0x21: {  	v39 =	vld [tilespmem:$0xE0];
	v63 =	vshra.s32 v58, $0x1;
	[tilespmem:$0x2F0] =	vst v62  }
0x22: {  	v41 =	vld [tilespmem:$0xD0];
	v0 =	vshra.s32 v30, $0x1;
	[tilespmem:$0x200] =	vst v63  }
0x23: {  	v38 =	vld [tilespmem:$0x100];
	v1 =	vshra.s32 v33, $0x1;
	[tilespmem:$0x370] =	vst v0  }
0x24: {  	v42 =	vld [tilespmem:$0xC0];
	v4 =	vshra.s32 v34, $0x1;
	[tilespmem:$0x350] =	vst v1  }
0x25: {  	v45 =	vld [tilespmem:$0xA0];
	v2 =	vshra.s32 v37, $0x1;
	[tilespmem:$0x340] =	vst v4  }
0x26: {  	v46 =	vld [tilespmem:$0x90];
	v3 =	vshra.s32 v39, $0x1;
	[tilespmem:$0x310] =	vst v2  }
0x27: {  	v48 =	vld [tilespmem:$0x60];
	v5 =	vshra.s32 v41, $0x1;
	[tilespmem:$0x2E0] =	vst v3  }
0x28: {  	v47 =	vld [tilespmem:$0x80];
	v0 =	vshra.s32 v38, $0x1;
	[tilespmem:$0x2D0] =	vst v5  }
0x29: {  	v51 =	vld [tilespmem:$0x40];
	v1 =	vshra.s32 v42, $0x1;
	[tilespmem:$0x300] =	vst v0  }
0x2a: {  	s15 =	simm.s32 $0x80;
	s16 =	simm.s32 $0x200;
	s6 =	ssub.s32 $0x2, s6;
	v57 =	vld [tilespmem:$0x70];
	v4 =	vshra.s32 v45, $0x1;
	[tilespmem:$0x2C0] =	vst v1  }
0x2b: {  	s14 =	simm.s32 $0x400;
	s17 =	simm.s32 $0x280;
	s31 =	sshrl.u32 s6, $0x1;
	v2 =	vshra.s32 v46, $0x1;
	[tilespmem:$0x2A0] =	vst v4  }
0x2c: {  	s13 =	simm.s32 $0x4400;
	s18 =	simm.s32 $0x300;
	s10 =	ssub.s32 s6, s31;
	v3 =	vshra.s32 v48, $0x1;
	[tilespmem:$0x290] =	vst v2  }
0x2d: {  	s12 =	simm.s32 $0x8400;
	s19 =	simm.s32 $0x380;
	s20 =	smax.u32 s10, $0x1;
	v0 =	vshra.s32 v47, $0x1;
	[tilespmem:$0x260] =	vst v3  }
0x2e: {  	s11 =	simm.s32 $0x1;
	s7 =	sshll.u32 s7, $0x4;
	p0 =	sne.s32 s20, $0x1;
	v1 =	vshra.s32 v51, $0x1;
	[tilespmem:$0x280] =	vst v0  }
.Ltmp0:
0x2f: {  	s8 =	sadd.s32 $0x16E4A00, s5;
	s5 =	sadd.s32 s7, s5;
	[tilespmem:$0x240] =	vst v1;
	v0 =	vshra.s32 v57, $0x1;
	(pc) =	sbr.rel @!p0 .LBB2_2-.Ltmp0, $4  }
0x30: {  	s10 =	simm.s32 $0xC400;
	s9 =	sadd.s32 $0xE00, s5;
	s7 =	sadd.s32 $0x1600, s5;
	[tilespmem:$0x270] =	vst v0  }
0x31: {  	[tilespmem:s14], [sflag:$0x1] =	stream.indirect.gather [hbm4b:s8+s15], $0x80, s16, s15, $0xb8;
	[tilespmem:$0x10400] =	vst v63  }
0x32: {  	s6 =	sadd.s32 $0x1E00, s5;
	s5 =	sadd.s32 $0x2600, s5;
	s20 =	sadd.s32 $0xFFFFFFFF, s20  }
0x33: {  	[tilespmem:s13], [sflag:$0x1] =	stream.indirect.gather [hbm4b:s8+s15], $0x80, s17, s15, $0xb8;
	[tilespmem:$0x10400] =	vst v63  }
.LBB2_1:
0x34: {  	p0 =	sne.s32 s20, $0x1;
	s20 =	sadd.s32 $0xFFFFFFFF, s20  }
0x35: {  	[tilespmem:s12], [sflag:$0x1] =	stream.indirect.gather [hbm4b:s8+s15], $0x80, s18, s15, $0xb8;
	[tilespmem:$0x10400] =	vst v63  }
0x36: {  	_ = 	snop  }
0x37: {  	[tilespmem:s10], [sflag:$0x1] =	stream.indirect.gather [hbm4b:s8+s15], $0x80, s19, s15, $0xb8;
	[tilespmem:$0x10400] =	vst v63  }
0x38: {  	_ =	swait.ge [sflag:s11], $0x4000  }
0x39: {  	[sflag:s11] =	ssyncset.done $0x0  }
0x3a: {  	[sflag:s11] =	ssyncadd.s32 $0xFFFFC000  }
0x3b: {  	[hbm4b:s9+s2] =	stream.linear.scatter [tilespmem:s14], [sflag:$0x2], $0x4000, $0x38;
	[tilespmem:$0x10400] =	vst v63  }
0x3c: {  	_ =	swait.ge [sflag:s3], $0x4000  }
0x3d: {  	[sflag:s3] =	ssyncset.done $0x0  }
0x3e: {  	[sflag:s3] =	ssyncadd.s32 $0xFFFFC000  }
0x3f: {  	_ =	swait.ge [sflag:s11], $0x4000  }
0x40: {  	[sflag:s11] =	ssyncset.done $0x0  }
0x41: {  	[sflag:s11] =	ssyncadd.s32 $0xFFFFC000  }
0x42: {  	[hbm4b:s7+s2] =	stream.linear.scatter [tilespmem:s13], [sflag:$0x2], $0x4000, $0x38;
	[tilespmem:$0x10400] =	vst v63  }
0x43: {  	_ =	swait.ge [sflag:s3], $0x4000  }
0x44: {  	[sflag:s3] =	ssyncset.done $0x0  }
0x45: {  	[sflag:s3] =	ssyncadd.s32 $0xFFFFC000  }
0x46: {  	_ =	swait.ge [sflag:s11], $0x4000  }
0x47: {  	[sflag:s11] =	ssyncset.done $0x0  }
0x48: {  	[sflag:s11] =	ssyncadd.s32 $0xFFFFC000  }
0x49: {  	[hbm4b:s6+s2] =	stream.linear.scatter [tilespmem:s12], [sflag:$0x2], $0x4000, $0x38;
	[tilespmem:$0x10400] =	vst v63  }
0x4a: {  	_ =	swait.ge [sflag:s3], $0x4000  }
0x4b: {  	[sflag:s3] =	ssyncset.done $0x0  }
0x4c: {  	[sflag:s3] =	ssyncadd.s32 $0xFFFFC000  }
0x4d: {  	_ =	swait.ge [sflag:s11], $0x4000  }
0x4e: {  	[sflag:s11] =	ssyncset.done $0x0  }
0x4f: {  	[sflag:s11] =	ssyncadd.s32 $0xFFFFC000  }
0x50: {  	[hbm4b:s5+s2] =	stream.linear.scatter [tilespmem:s10], [sflag:$0x2], $0x4000, $0x38;
	[tilespmem:$0x10400] =	vst v63  }
0x51: {  	_ =	swait.ge [sflag:s3], $0x4000  }
0x52: {  	[sflag:s3] =	ssyncset.done $0x0  }
0x53: {  	[sflag:s3] =	ssyncadd.s32 $0xFFFFC000  }
0x54: {  	[tilespmem:s2], [sflag:$0x2] =	stream.linear.gather [hbm4b:s4+s2], $0x200, $0x38;
	[tilespmem:$0x10400] =	vst v63  }
0x55: {  	_ =	swait.ge [sflag:s3], $0x200  }
0x56: {  	[sflag:s3] =	ssyncset.done $0x0  }
0x57: {  	[sflag:s3] =	ssyncadd.s32 $0xFFFFFE00  }
0x58: {  	v0 =	vld [tilespmem:$0x1F0]  }
0x59: {  	v1 =	vld [tilespmem:$0x1E0]  }
0x5a: {  	v2 =	vld [tilespmem:$0x130]  }
0x5b: {  	v3 =	vld [tilespmem:$0x1D0]  }
0x5c: {  	v4 =	vld [tilespmem:$0x1C0]  }
0x5d: {  	v5 =	vld [tilespmem:$0x1B0];
	v0 =	vshra.s32 v0, $0x1  }
0x5e: {  	v6 =	vld [tilespmem:$0x190];
	v1 =	vshra.s32 v1, $0x1;
	[tilespmem:$0x3F0] =	vst v0  }
0x5f: {  	v0 =	vshra.s32 v2, $0x1;
	v2 =	vld [tilespmem:$0x180];
	[tilespmem:$0x3E0] =	vst v1  }
0x60: {  	[tilespmem:$0x330] =	vst v0;
	v0 =	vld [tilespmem:$0x170];
	v1 =	vshra.s32 v3, $0x1  }
0x61: {  	v3 =	vld [tilespmem:$0x160];
	v4 =	vshra.s32 v4, $0x1;
	[tilespmem:$0x3D0] =	vst v1  }
0x62: {  	v1 =	vld [tilespmem:$0x150];
	v5 =	vshra.s32 v5, $0x1;
	[tilespmem:$0x3C0] =	vst v4  }
0x63: {  	v4 =	vld [tilespmem:$0x140];
	v6 =	vshra.s32 v6, $0x1;
	[tilespmem:$0x3B0] =	vst v5  }
0x64: {  	v5 =	vld [tilespmem:$0xB0];
	v2 =	vshra.s32 v2, $0x1;
	[tilespmem:$0x390] =	vst v6  }
0x65: {  	v6 =	vld [tilespmem:$0x120];
	v0 =	vshra.s32 v0, $0x1;
	[tilespmem:$0x380] =	vst v2  }
0x66: {  	v2 =	vld [tilespmem:$0x110];
	v3 =	vshra.s32 v3, $0x1;
	[tilespmem:$0x370] =	vst v0  }
0x67: {  	v0 =	vld [tilespmem:$0x100];
	v1 =	vshra.s32 v1, $0x1;
	[tilespmem:$0x360] =	vst v3  }
0x68: {  	v3 =	vld [tilespmem:$0xE0];
	v4 =	vshra.s32 v4, $0x1;
	[tilespmem:$0x350] =	vst v1  }
0x69: {  	v1 =	vshra.s32 v5, $0x1;
	v5 =	vld [tilespmem:$0xD0];
	[tilespmem:$0x340] =	vst v4  }
0x6a: {  	[tilespmem:$0x2B0] =	vst v1;
	v1 =	vld [tilespmem:$0xC0];
	v4 =	vshra.s32 v6, $0x1  }
0x6b: {  	v6 =	vld [tilespmem:$0x30];
	v2 =	vshra.s32 v2, $0x1;
	[tilespmem:$0x320] =	vst v4  }
0x6c: {  	v4 =	vld [tilespmem:$0xA0];
	v0 =	vshra.s32 v0, $0x1;
	[tilespmem:$0x310] =	vst v2  }
0x6d: {  	v2 =	vld [tilespmem:$0x90];
	v3 =	vshra.s32 v3, $0x1;
	[tilespmem:$0x300] =	vst v0  }
0x6e: {  	v0 =	vld [tilespmem:$0x80];
	v5 =	vshra.s32 v5, $0x1;
	[tilespmem:$0x2E0] =	vst v3  }
0x6f: {  	v3 =	vld [tilespmem:$0x60];
	v1 =	vshra.s32 v1, $0x1;
	[tilespmem:$0x2D0] =	vst v5  }
0x70: {  	v5 =	vshra.s32 v6, $0x1;
	v6 =	vld [tilespmem:$0x50];
	[tilespmem:$0x2C0] =	vst v1  }
0x71: {  	[tilespmem:$0x230] =	vst v5;
	v1 =	vld [tilespmem:$0x40];
	v4 =	vshra.s32 v4, $0x1  }
0x72: {  	v2 =	vshra.s32 v2, $0x1;
	[tilespmem:$0x2A0] =	vst v4;
	v4 =	vld [tilespmem:$0x1A0]  }
0x73: {  	v5 =	vld [tilespmem:$0x20];
	v0 =	vshra.s32 v0, $0x1;
	[tilespmem:$0x290] =	vst v2  }
0x74: {  	v2 =	vld [tilespmem:$0x10];
	v3 =	vshra.s32 v3, $0x1;
	[tilespmem:$0x280] =	vst v0  }
0x75: {  	v0 =	vshra.s32 v6, $0x1;
	[tilespmem:$0x260] =	vst v3;
	v3 =	vld [tilespmem:$0xF0]  }
0x76: {  	v1 =	vshra.s32 v1, $0x1;
	[tilespmem:$0x250] =	vst v0;
	v0 =	vld [tilespmem:$0x70]  }
0x77: {  	v6 =	vld [tilespmem:$0x0];
	[tilespmem:$0x240] =	vst v1;
	v1 =	vshra.s32 v4, $0x1  }
0x78: {  	v4 =	vshra.s32 v5, $0x1;
	[tilespmem:$0x3A0] =	vst v1  }
0x79: {  	v1 =	vshra.s32 v2, $0x1;
	[tilespmem:$0x220] =	vst v4  }
0x7a: {  	[tilespmem:$0x210] =	vst v1;
	v1 =	vshra.s32 v3, $0x1  }
0x7b: {  	v0 =	vshra.s32 v0, $0x1;
	[tilespmem:$0x2F0] =	vst v1  }
.Ltmp1:
0x7c: {  	v1 =	vshra.s32 v6, $0x1;
	[tilespmem:$0x270] =	vst v0;
	(pc) =	sbr.rel @p0 .LBB2_1-.Ltmp1, $4  }
0x7d: {  	[tilespmem:$0x200] =	vst v1  }
0x7e: {  	[tilespmem:s14], [sflag:$0x1] =	stream.indirect.gather [hbm4b:s8+s15], $0x80, s16, s15, $0xb8;
	[tilespmem:$0x10400] =	vst v63  }
0x7f: {  	_ = 	snop  }
0x80: {  	[tilespmem:s13], [sflag:$0x1] =	stream.indirect.gather [hbm4b:s8+s15], $0x80, s17, s15, $0xb8;
	[tilespmem:$0x10400] =	vst v63  }
.LBB2_2:
0x81: {  	[tilespmem:s12], [sflag:$0x1] =	stream.indirect.gather [hbm4b:s8+s15], $0x80, s18, s15, $0xb8;
	[tilespmem:$0x10400] =	vst v63  }
0x82: {  	_ = 	snop  }
0x83: {  	[tilespmem:s10], [sflag:$0x1] =	stream.indirect.gather [hbm4b:s8+s15], $0x80, s19, s15, $0xb8;
	[tilespmem:$0x10400] =	vst v63  }
0x84: {  	_ =	swait.ge [sflag:s11], $0x4000  }
0x85: {  	[sflag:s11] =	ssyncset.done $0x0  }
0x86: {  	[sflag:s11] =	ssyncadd.s32 $0xFFFFC000  }
0x87: {  	[hbm4b:s9+s2] =	stream.linear.scatter [tilespmem:s14], [sflag:$0x2], $0x4000, $0x38;
	[tilespmem:$0x10400] =	vst v63  }
0x88: {  	_ =	swait.ge [sflag:s3], $0x4000  }
0x89: {  	[sflag:s3] =	ssyncset.done $0x0  }
0x8a: {  	[sflag:s3] =	ssyncadd.s32 $0xFFFFC000  }
0x8b: {  	_ =	swait.ge [sflag:s11], $0x4000  }
0x8c: {  	[sflag:s11] =	ssyncset.done $0x0  }
0x8d: {  	[sflag:s11] =	ssyncadd.s32 $0xFFFFC000  }
0x8e: {  	[hbm4b:s7+s2] =	stream.linear.scatter [tilespmem:s13], [sflag:$0x2], $0x4000, $0x38;
	[tilespmem:$0x10400] =	vst v63  }
0x8f: {  	_ =	swait.ge [sflag:s3], $0x4000  }
0x90: {  	[sflag:s3] =	ssyncset.done $0x0  }
0x91: {  	[sflag:s3] =	ssyncadd.s32 $0xFFFFC000  }
0x92: {  	_ =	swait.ge [sflag:s11], $0x4000  }
0x93: {  	[sflag:s11] =	ssyncset.done $0x0  }
0x94: {  	[sflag:s11] =	ssyncadd.s32 $0xFFFFC000  }
0x95: {  	[hbm4b:s6+s2] =	stream.linear.scatter [tilespmem:s12], [sflag:$0x2], $0x4000, $0x38;
	[tilespmem:$0x10400] =	vst v63  }
0x96: {  	_ =	swait.ge [sflag:s3], $0x4000  }
0x97: {  	[sflag:s3] =	ssyncset.done $0x0  }
0x98: {  	[sflag:s3] =	ssyncadd.s32 $0xFFFFC000  }
0x99: {  	_ =	swait.ge [sflag:s11], $0x4000  }
0x9a: {  	[sflag:s11] =	ssyncset.done $0x0  }
0x9b: {  	[sflag:s11] =	ssyncadd.s32 $0xFFFFC000  }
0x9c: {  	[hbm4b:s5+s2] =	stream.linear.scatter [tilespmem:s10], [sflag:$0x2], $0x4000, $0x38;
	[tilespmem:$0x10400] =	vst v63  }
0x9d: {  	_ =	swait.ge [sflag:s3], $0x4000  }
0x9e: {  	[sflag:s3] =	ssyncset.done $0x0  }
0x9f: {  	[sflag:s3] =	ssyncadd.s32 $0xFFFFC000  }
0xa0: {  	_ =	sfence.sel $0x180000  }
0xa1: {  	[bflag:$0x0] =	sbarrier.arrive $0xFFFF  }
0xa2: {  	p0 =	sne.s32 s0, $0x0;
	_ =	strace $0x9000004D  }
0xa3: {  	s0 =	sadd.s32 @!p0 $0x100000, s1;
	[bflag:$0x2] =	sbarrier.arrive $0xFFFF  }
0xa4: {  	[sflag:s0] =	ssyncadd.tile.s32 @!p0 $0x1;
	_ =	shalt  }
.Lfunc_end2:
_tile_overlayer_lowered:
.L_overlay_start_2:
0xa5: {  	(tag) =	ssettag $0x2  }
0xa6: {  	s0 =	rddreg [dreg:$0x0];
	s2 =	stileid.u32  }
0xa7: {  	s1 =	rddreg [dreg:$0x1];
	p0 =	sne.s32 s2, $0x0  }
0xa8: {  	s3 =	rddreg [dreg:$0x2];
	[bflag:$0x3] =	sbarrier.arrive $0xFFFF;
	s2 =	simm.s32 @!p0 $0x1C02  }
0xa9: {  	[timem:s3], [sflag:s2] =	dma.local @!p0 [hbm:s0], s1  }
0xaa: {  	s0 =	simm.s32 @!p0 $0x2  }
0xab: {  	_ =	swait.ge @!p0 [sflag:s0], s1  }
0xac: {  	s1 =	ssub.s32 @!p0 $0x0, s1;
	[sflag:s0] =	ssyncset.done @!p0 $0x0  }
0xad: {  	[sflag:s0] =	ssyncadd.s32 @!p0 s1  }
0xae: {  	[bflag:$0x3] =	sbarrier.arrive $0xFFFF  }
0xaf: {  	_ =	shalt  }

// kernel: sparse-core-data-format-call.1.cloned.1.call-start
scs
called_computation.1_lowered:
.L_overlay_start_0:
0x0: {  	s1 =	sld [smem:$0x3FD9]  }
0x1: {  	s2 =	sld [smem:$0x3FFE];
	_ =	sdelay $0x1  }
0x2: {  	s3 =	srdreg.scid  }
0x3: {  	s0 =	sand.u32 $0x1, s3  }
0x4: {  	s17 =	sshll.u32 s0, $0xA;
	s1 =	sadd.s32 s2, s1  }
0x5: {  	s1 =	sadd.s32 s1, s17  }
0x6: {  	[smem:$0x3FC6] =	sst s1  }
0x7: {  	_ = 	snop  }
0x8: {  	(tm) =	ssettm $0x1  }
0x9: {  	s18 =	sld [smem:$0x3FFB];
	_ =	sdelay $0x3  }
0xa: {  	_ =	strace s18  }
0xb: {  	s1 =	sld [smem:$0x3FFC];
	_ =	sdelay $0x3  }
0xc: {  	_ =	strace s1  }
0xd: {  	s1 =	sld [smem:$0x3FFD];
	_ =	sdelay $0x3  }
0xe: {  	_ =	strace s1  }
0xf: {  	_ =	strace $0x8FFFFFFF  }
0x10: {  	s19 =	sld [smem:$0x3FDB];
	_ =	sdelay $0x1  }
0x11: {  	s20 =	simm.s32 $_scs_section_size  }
0x12: {  	s4 =	simm.s32 $_size__tile_overlayer_lowered;
	s5 =	simm.s32 $_tile_overlayer_lowered  }
0x13: {  	s23 =	simm.s32 $0x1BFF;
	s22 =	sshll.u32 s5, $0x1;
	s1 =	sadd.s32 s20, s19  }
0x14: {  	s6 =	simm.s32 $0x0;
	s21 =	sshll.u32 s4, $0x1;
	s4 =	sadd.s32 s22, s1  }
0x15: {  	[timem:s6], [sflag:s23] =	dma.local [hbm:s4], s21  }
0x16: {  	_ =	swait.ge [sflag:s23], s21  }
0x17: {  	s2 =	ssub.s32 $0x0, s21;
	[sflag:s23] =	ssyncset.done $0x0  }
0x18: {  	[sflag:s23] =	ssyncadd.s32 s2;
	_ =	sdelay $0x1  }
0x19: {  	s24 =	simm.s32 $0x1B8B  }
0x1a: {  	_ =	swait.ge [sflag:s24], $0x1  }
0x1b: {  	[sflag:s24] =	ssyncset.done $0x0  }
0x1c: {  	s26 =	simm.s32 $0x1B8E;
	s25 =	sld [smem:$0x3FFE];
	[sflag:s24] =	ssyncadd.s32 $0xFFFFFFFF  }
0x1d: {  	s27 =	simm.s32 $execute0_lowered;
	[smem:$0x3FD2] =	sst s26  }
0x1e: {  	s4 =	sshll.u32 s27, $0x1;
	_ =	strace $0x80000046;
	[dreg:$0x1] =	wrdreg $0xFFFFFFFF  }
0x1f: {  	s28 =	simm.s32 $_size_execute0_lowered;
	s1 =	sadd.s32 s1, s4;
	[dreg:$0x0] =	wrdreg $0x0  }
0x20: {  	s4 =	sshll.u32 s28, $0x1;
	[dreg:$0x2] =	wrdreg s1  }
0x21: {  	[dreg:$0x3] =	wrdreg s4  }
0x22: {  	[dreg:$0x4] =	wrdreg $0xC0  }
0x23: {  	_ =	task [dreg:s6], $0x5FFFF  }
0x24: {  	[dreg:$0x1] =	wrdreg $0xFFFFFFFF  }
0x25: {  	[dreg:$0x0] =	wrdreg $0x60  }
0x26: {  	[dreg:$0x2] =	wrdreg s25  }
0x27: {  	[dreg:$0x3] =	wrdreg $0xA  }
0x28: {  	_ =	task.clear_ibuf [dreg:s6], $0x4FFFF;
	_ =	strace $0x90000046  }
0x29: {  	s29 =	simm.s32 $0xA;
	_ =	strace $0x80000048  }
0x2a: {  	_ =	swait.ge [sflag:s29], $0x1  }
0x2b: {  	[sflag:s29] =	ssyncadd.s32 $0xFFFFFFFF  }
0x2c: {  	_ =	strace $0x90000048  }
0x2d: {  	_ =	sfence  }
0x2e: {  	s30 =	sld [smem:$0x0];
	_ =	sdelay $0x2  }
0x2f: {  	s31 =	sshll.u32 s3, $0xD;
	s3 =	sshrl.u32 s3, $0x2  }
0x30: {  	s2 =	sand.u32 $0x4000, s31;
	s1 =	sadd.s32 s3, s30  }
0x31: {  	s0 =	sor.u32 s2, s0;
	s1 =	sshll.u32 s1, $0x11  }
0x32: {  	s0 =	sor.u32 s1, s0  }
0x33: {  	s0 =	sadd.s32 $0x8F2B, s0  }
0x34: {  	[sflag:s0] =	ssyncadd.remote.s32 $0x1  }
0x35: {  	_ =	sfence.sel $0xFFFF  }
0x36: {  	[dreg:$0x0] =	wrdreg $0xFFFFFFFF;
	(pc) =	sbr.abs _section_cstart, $3  }
0x37: {  	[dreg:$0x1] =	wrdreg $0xFFFFFFFF  }
0x38: {  	_ =	task.clear_ibuf [dreg:s6], $0x2FFFF;
	_ =	strace $0x9FFFFFFF  }
0x39: {  	(tm) =	ssettm $0x7FFFFFFF  }
tec
execute0_lowered:
.L_overlay_start_1:
0x0: {  	(tag) =	ssettag $0x1  }
0x1: {  	s0 =	srdreg.scid  }
0x2: {  	s5 =	rddreg [dreg:$0x0];
	s1 =	stileid.u32;
	s4 =	simm.s32 $0x1  }
0x3: {  	s6 =	simm.s32 $0x2;
	s15 =	simm.s32 $0x0;
	p0 =	por $0x0, $0x0  }
0x4: {  	s8 =	simm.s32 $0x80;
	s14 =	simm.s32 $0x0;
	s2 =	sshll.u32 s0, $0x4  }
0x5: {  	s9 =	simm.s32 $0x0;
	s10 =	simm.s32 $0x0;
	s2 =	sand.u32 $0x10, s2  }
.Ltmp0:
0x6: {  	s12 =	simm.s32 $0x0;
	s3 =	sor.u32 s1, s2;
	(pc) =	sbr.rel .LBB1_1-.Ltmp0, $4  }
0x7: {  	s0 =	rddreg [dreg:$0x1];
	_ =	strace $0x80000047;
	s3 =	sshll.u32 s3, $0x7  }
0x8: {  	s13 =	simm.s32 $0x0;
	[sflag:s4] =	ssyncpa.u1 $0x0;
	s7 =	ssub.s32 $0x7A100, s3  }
0x9: {  	s2 =	sadd.s32 $0xE00, s5;
	[sflag:s6] =	ssyncpa.u1 $0x0;
	s6 =	sshrl.u32 s7, $0xC  }
0xa: {  	s5 =	sadd.s32 $0x3D1A00, s5;
	s11 =	smov.u32 s3;
	s7 =	sadd.s32 $0x2, s6  }
.LBB1_5:
0xb: {  	p1 =	slt.u32 s13, $0x2  }
0xc: {  	s17 =	smov.u32 s15;
	p2 =	sgt.s32 @!p1 s15, $0x7A0A0;
	s16 =	sshra.s32 @!p1 s15, $0x1F  }
0xd: {  	p3 =	sgt.s32 @!p1 s14, $0x40;
	s18 =	sshra.s32 @!p1 s14, $0x1F;
	p2 =	por !p2, p1  }
0xe: {  	s15 =	sand.u32 @!p1 s16, s15;
	p3 =	por !p3, p1;
	s16 =	smov.u32 s14  }
0xf: {  	s14 =	sand.u32 @!p1 s18, s14;
	s17 =	simm.s32 @p2 $0x7A0A0;
	s16 =	simm.s32 @p3 $0x40  }
0x10: {  	s15 =	ssub.s32 @!p1 s17, s15;
	s14 =	ssub.s32 @!p1 s16, s14  }
0x11: {  	s18 =	smov.u32 s12;
	s16 =	sadd.s32 @!p1 $0xFFF85F60, s15;
	s17 =	sadd.s32 @!p1 $0xFFFFFFC0, s14  }
0x12: {  	s15 =	ssub.s32 @!p1 $0x7A120, s15;
	p2 =	sgt.s32 @!p1 s16, $0x7F;
	p3 =	sgt.s32 @!p1 s17, $0x3F  }
0x13: {  	s14 =	ssub.s32 @!p1 $0x80, s14;
	p2 =	por !p2, p1;
	p3 =	por !p3, p1  }
0x14: {  	s16 =	sadd.s32 $0x1000, s11;
	s15 =	simm.s32 @!p2 $0x0;
	s14 =	simm.s32 @!p3 $0x0  }
0x15: {  	p2 =	sgt.s32 s16, $0x7A11F;
	s14 =	smul.u32 @!p1 s14, s15;
	s15 =	sadd.s32 $0x40, s12  }
0x16: {  	s18 =	smov.u32 @p2 s15  }
0x17: {  	s16 =	smov.u32 @p2 s3;
	p2 =	sgt.s32 s18, $0x3F  }
0x18: {  	s18 =	simm.s32 @p2 $0x0;
	p2 =	sne.s32 s13, s7  }
.Ltmp1:
0x19: {  	p0 =	por !p0, !p0;
	s17 =	simm.s32 @!p1 $0x2;
	(pc) =	sbr.rel @!p2 .LBB1_6-.Ltmp1, $4  }
0x1a: {  	s15 =	smov.u32 s9;
	s9 =	smov.u32 s11;
	s14 =	sand.u32 @!p1 $0x3FFFFFFF, s14  }
0x1b: {  	s11 =	smov.u32 s16;
	_ =	swait.ge @!p1 [sflag:s17], s14;
	s19 =	ssub.s32 @!p1 $0x0, s14  }
0x1c: {  	s14 =	smov.u32 s10;
	s13 =	sadd.s32 $0x1, s13;
	[sflag:s17] =	ssyncset.done @!p1 $0x0  }
0x1d: {  	s10 =	smov.u32 s12;
	s12 =	smov.u32 s18;
	[sflag:s17] =	ssyncadd.s32 @!p1 s19  }
.LBB1_1:
0x1e: {  	p1 =	sgt.u32 s13, s6  }
0x1f: {  	s16 =	sshrl.u32 @!p1 s12, $0x3  }
0x20: {  	s17 =	sshll.u32 @!p1 s11, $0x3;
	s16 =	smul.u32 @!p1 $0x3D0C00, s16  }
0x21: {  	s18 =	sshll.u32 @!p1 s12, $0x7;
	s17 =	sand.u32 @!p1 $0xFFFFFC00, s17  }
0x22: {  	s16 =	sadd.s32 @!p1 s16, s17;
	s17 =	sand.u32 @!p1 $0x380, s18  }
0x23: {  	s16 =	sor.u32 @!p1 s17, s16  }
0x24: {  	s17 =	sshrl.u32 @!p1 s16, $0x7  }
0x25: {  	s17 =	smulhi.u32 @!p1 $0x10C6249, s17;
	_ =	sdelay $0x1  }
0x26: {  	s17 =	sshrl.u32 @!p1 s17, $0x4  }
0x27: {  	s18 =	sand.u32 @!p1 $0x7F, s11;
	s19 =	smul.u32 @!p1 $0x7A180, s17  }
0x28: {  	s16 =	sor.u32 @!p1 s18, s16;
	s18 =	sxor.u32 @!p1 $0xFFFFFFFF, s13  }
0x29: {  	s18 =	sshll.u32 @!p1 s18, $0xD;
	s17 =	sand.u32 @!p1 $0x3F, s17;
	s16 =	ssub.s32 @!p1 s16, s19  }
0x2a: {  	s17 =	smul.u32 @!p1 $0xF430, s17;
	s19 =	sshrl.u32 @!p1 s16, $0x3;
	s16 =	sand.u32 @!p1 $0x7, s16  }
0x2b: {  	s18 =	sand.u32 @!p1 $0x2000, s18;
	s19 =	sadd.s32 @!p1 s2, s19;
	s16 =	sshll.u32 @!p1 s16, $0x12  }
0x2c: {  	s17 =	sadd.s32 @!p1 s17, s19;
	s16 =	sor.u32 @!p1 $0x400, s16;
	s19 =	simm.s32 @!p1 $0x3D0C00  }
0x2d: {  	[tilespmem:s18], [sflag:$0x1] =	stream.strided.gather @!p1 [hbm4b:s17+s16], $0x2000, s19, s16, $0x38;
	[tilespmem:$0x8100] =	vst v63  }
0x2e: {  	p1 =	seq.s32 s13, $0x0  }
0x2f: {  	p2 =	sge.u32 @!p1 s13, s7  }
0x30: {  	p1 =	por p1, p2  }
.Ltmp2:
0x31: {  	_ = 	snop;
	(pc) =	sbr.rel @p1 .LBB1_5-.Ltmp2, $1  }
0x32: {  	_ =	sdelay $0x3  }
0x33: {  	s16 =	simm.s32 $0x1  }
0x34: {  	_ =	swait.ge [sflag:s4], $0x2000;
	s16 =	simm.s32 @!p0 $0x0  }
0x35: {  	[sflag:s4] =	ssyncset.done $0x0;
	s17 =	sshll.u32 s16, $0xD  }
0x36: {  	[sflag:s4] =	ssyncadd.s32 $0xFFFFE000;
	s17 =	sor.u32 $0x40, s17  }
0x37: {  	s16 =	smul.u32 $0x8200, s16;
	v0 =	vld [tilespmem:s17+$0x30]  }
0x38: {  	v1 =	vld [tilespmem:s17+$0xFFFFFFD0]  }
0x39: {  	s16 =	sshrl.u32 s16, $0x2;
	v5 =	vld [tilespmem:s17+$0xFFFFFFE0]  }
0x3a: {  	v6 =	vld [tilespmem:s17+$0xFFFFFFF0];
	s19 =	sor.u32 $0x4000, s16  }
0x3b: {  	s31 =	sand.u32 $0x1, s13;
	v4 =	vld [tilespmem:s17+$0x0];
	s18 =	sadd.s32 $0x0, s19  }
0x3c: {  	v3 =	vld [tilespmem:s17+$0x10];
	s16 =	smul.u32 $0x8200, s31;
	[tilespmem:s18+$0x1C70 ss:$0x41] =	vst.msk $0xffff, v0  }
0x3d: {  	v2 =	vld [tilespmem:s17+$0x20];
	[tilespmem:s18+$0x410 ss:$0x41] =	vst.msk $0xffff, v1  }
0x3e: {  	s16 =	sshrl.u32 s16, $0x2;
	v1 =	vld [tilespmem:s17+$0xFFFFFFC0];
	[tilespmem:s18+$0x820 ss:$0x41] =	vst.msk $0xffff, v5;
	s17 =	sadd.s32 $0x80, s17  }
0x3f: {  	s20 =	simm.s32 $0x4;
	s21 =	simm.s32 $0x8;
	s16 =	sor.u32 $0x4000, s16;
	[tilespmem:s18+$0xC30 ss:$0x41] =	vst.msk $0xffff, v6;
	v0 =	vld [tilespmem:s17+$0x30]  }
.LBB1_3:
0x40: {  	p1 =	sne.s32 s21, $0xFC;
	v5 =	vld [tilespmem:s17+$0xFFFFFFD0];
	[tilespmem:s18+$0x1040 ss:$0x41] =	vst.msk $0xffff, v4  }
0x41: {  	v6 =	vld [tilespmem:s17+$0xFFFFFFE0];
	[tilespmem:s18+$0x1450 ss:$0x41] =	vst.msk $0xffff, v3  }
0x42: {  	s22 =	sshra.s32 s20, $0x2;
	s20 =	smov.u32 s21;
	v7 =	vld [tilespmem:s17+$0xFFFFFFF0];
	[tilespmem:s18+$0x1860 ss:$0x41] =	vst.msk $0xffff, v2  }
.Ltmp3:
0x43: {  	v4 =	vld [tilespmem:s17+$0x0];
	[tilespmem:s18+$0x0 ss:$0x41] =	vst.msk $0xffff, v1;
	s18 =	sadd.s32 s22, s19;
	(pc) =	sbr.rel @p1 .LBB1_3-.Ltmp3, $4  }
0x44: {  	v3 =	vld [tilespmem:s17+$0x10];
	[tilespmem:s18+$0x1C70 ss:$0x41] =	vst.msk $0xffff, v0  }
0x45: {  	[tilespmem:s18+$0x410 ss:$0x41] =	vst.msk $0xffff, v5;
	v2 =	vld [tilespmem:s17+$0x20]  }
0x46: {  	v1 =	vld [tilespmem:s17+$0xFFFFFFC0];
	[tilespmem:s18+$0x820 ss:$0x41] =	vst.msk $0xffff, v6;
	s17 =	sadd.s32 $0x80, s17  }
0x47: {  	s21 =	sadd.s32 $0x4, s21;
	v0 =	vld [tilespmem:s17+$0x30];
	[tilespmem:s18+$0xC30 ss:$0x41] =	vst.msk $0xffff, v7  }
0x48: {  	s21 =	sshll.u32 s9, $0x7;
	s22 =	sshll.u32 s10, $0x3;
	s20 =	sshra.s32 s20, $0x2  }
0x49: {  	p1 =	sgt.s32 s9, $0x7A0A0;
	s30 =	sshra.s32 s9, $0x1F;
	s25 =	sshra.s32 s10, $0x1F  }
0x4a: {  	v5 =	vld [tilespmem:s17+$0xFFFFFFD0];
	s28 =	sshrl.u32 s10, $0x3;
	s23 =	sand.u32 $0xFFFFFC00, s21;
	s22 =	sand.u32 $0xFFFFFC00, s22  }
0x4b: {  	[tilespmem:s18+$0x1040 ss:$0x41] =	vst.msk $0xffff, v4;
	v58 =	vld [tilespmem:s17+$0xFFFFFFE0];
	s21 =	sand.u32 $0x380, s21;
	s19 =	sadd.s32 s20, s19;
	s22 =	sadd.s32 s22, s23  }
0x4c: {  	v59 =	vld [tilespmem:s17+$0xFFFFFFF0];
	[tilespmem:s18+$0x1450 ss:$0x41] =	vst.msk $0xffff, v3;
	s29 =	sor.u32 s21, s22;
	s21 =	smov.u32 s9;
	s22 =	sand.u32 s30, s9  }
0x4d: {  	v60 =	vld [tilespmem:s17+$0x0];
	[tilespmem:s18+$0x1860 ss:$0x41] =	vst.msk $0xffff, v2;
	s30 =	sand.u32 $0x7, s10;
	s20 =	sshrl.u32 s29, $0x7;
	s21 =	simm.s32 @!p1 $0x7A0A0  }
0x4e: {  	v61 =	vld [tilespmem:s17+$0x10];
	[tilespmem:s18+$0x0 ss:$0x41] =	vst.msk $0xffff, v1;
	p1 =	sgt.s32 s10, $0x40;
	s24 =	ssub.s32 s21, s22;
	s21 =	smov.u32 s10  }
0x4f: {  	v62 =	vld [tilespmem:s17+$0x20];
	[tilespmem:s19+$0x1C70 ss:$0x41] =	vst.msk $0xffff, v0;
	s31 =	smulhi.u32 $0x218DEF5, s20;
	s22 =	sand.u32 s25, s10;
	s21 =	simm.s32 @!p1 $0x40  }
0x50: {  	v63 =	vld [tilespmem:s17+$0xFFFFFFC0];
	[tilespmem:s19+$0x410 ss:$0x41] =	vst.msk $0xffff, v5;
	s26 =	sadd.s32 $0xFFF85F60, s24;
	s17 =	ssub.s32 $0x7A120, s24;
	s21 =	ssub.s32 s21, s22  }
0x51: {  	[tilespmem:s19+$0x820 ss:$0x41] =	vst.msk $0xffff, v58;
	s23 =	sshrl.u32 s31, $0xC;
	p1 =	sgt.s32 s26, $0x7F;
	s27 =	sadd.s32 $0xFFFFFFC0, s21  }
0x52: {  	[tilespmem:s19+$0xC30 ss:$0x41] =	vst.msk $0xffff, v59;
	s23 =	smul.u32 $0x7A120, s23;
	s18 =	ssub.s32 $0x80, s21;
	p2 =	sgt.s32 s27, $0x3F  }
.Ltmp4:
0x53: {  	[tilespmem:s19+$0x1040 ss:$0x41] =	vst.msk $0xffff, v60;
	s17 =	simm.s32 @p1 $0x0;
	s18 =	simm.s32 @p2 $0x0;
	(pc) =	sbr.rel .LBB1_5-.Ltmp4, $4  }
0x54: {  	s29 =	sand.u32 $0xF, s28;
	[tilespmem:s19+$0x1450 ss:$0x41] =	vst.msk $0xffff, v61;
	s20 =	ssub.s32 s20, s23;
	s17 =	smul.u32 s18, s17  }
0x55: {  	[tilespmem:s19+$0x1860 ss:$0x41] =	vst.msk $0xffff, v62;
	s21 =	sshll.u32 s30, $0x12;
	s20 =	sshll.u32 s20, $0x4;
	s18 =	sadd.s32 s5, s29  }
0x56: {  	[tilespmem:s19+$0x0 ss:$0x41] =	vst.msk $0xffff, v63;
	s31 =	sor.u32 $0x40, s21;
	s18 =	sadd.s32 s20, s18;
	s17 =	sand.u32 $0x3FFFFFFF, s17  }
0x57: {  	[hbm4b:s18+s31] =	stream.strided.scatter [tilespmem:s16], [sflag:$0x2], s17, s8, s31, $0x18;
	[tilespmem:$0x8100] =	vst v63  }
.LBB1_6:
0x58: {  	_ =	sfence.sel $0x180000  }
0x59: {  	s2 =	simm.s32 $0x1;
	[bflag:$0x0] =	sbarrier.arrive $0xFFFF  }
0x5a: {  	s31 =	simm.s32 $0x2;
	[sflag:s2] =	ssyncpa.u1 $0x1  }
0x5b: {  	[sflag:s31] =	ssyncpa.u1 $0x1  }
0x5c: {  	p0 =	sne.s32 s1, $0x0;
	_ =	strace $0x90000047  }
0x5d: {  	s0 =	sadd.s32 @!p0 $0x100000, s0;
	[bflag:$0x2] =	sbarrier.arrive $0xFFFF  }
0x5e: {  	[sflag:s0] =	ssyncadd.tile.s32 @!p0 $0x1;
	_ =	shalt  }
.Lfunc_end1:
_tile_overlayer_lowered:
.L_overlay_start_2:
0x5f: {  	(tag) =	ssettag $0x2  }
0x60: {  	s0 =	rddreg [dreg:$0x0];
	s2 =	stileid.u32  }
0x61: {  	s1 =	rddreg [dreg:$0x1];
	p0 =	sne.s32 s2, $0x0  }
0x62: {  	s3 =	rddreg [dreg:$0x2];
	[bflag:$0x3] =	sbarrier.arrive $0xFFFF;
	s2 =	simm.s32 @!p0 $0x1C01  }
0x63: {  	[timem:s3], [sflag:s2] =	dma.local @!p0 [hbm:s0], s1  }
0x64: {  	s0 =	simm.s32 @!p0 $0x1  }
0x65: {  	_ =	swait.ge @!p0 [sflag:s0], s1  }
0x66: {  	s1 =	ssub.s32 @!p0 $0x0, s1;
	[sflag:s0] =	ssyncset.done @!p0 $0x0  }
0x67: {  	[sflag:s0] =	ssyncadd.s32 @!p0 s1  }
0x68: {  	[bflag:$0x3] =	sbarrier.arrive $0xFFFF  }
0x69: {  	_ =	shalt  }

// kernel: sparse-core-data-format-call.cloned.1.call-start
scs
called_computation_lowered:
.L_overlay_start_0:
0x0: {  	s2 =	sld [smem:$0x3FD9]  }
0x1: {  	s3 =	sld [smem:$0x3FFE];
	_ =	sdelay $0x1  }
0x2: {  	s1 =	srdreg.scid  }
0x3: {  	s0 =	sand.u32 $0x1, s1  }
0x4: {  	s18 =	sshll.u32 s0, $0xA;
	s2 =	sadd.s32 s3, s2  }
0x5: {  	s2 =	sadd.s32 s2, s18  }
0x6: {  	[smem:$0x3FC6] =	sst s2  }
0x7: {  	_ = 	snop  }
0x8: {  	(tm) =	ssettm $0x1  }
0x9: {  	s19 =	sld [smem:$0x3FFB];
	_ =	sdelay $0x3  }
0xa: {  	_ =	strace s19  }
0xb: {  	s2 =	sld [smem:$0x3FFC];
	_ =	sdelay $0x3  }
0xc: {  	_ =	strace s2  }
0xd: {  	s2 =	sld [smem:$0x3FFD];
	_ =	sdelay $0x3  }
0xe: {  	_ =	strace s2  }
0xf: {  	_ =	strace $0x8FFFFFFF  }
0x10: {  	s20 =	sld [smem:$0x3FDB];
	_ =	sdelay $0x1  }
0x11: {  	s21 =	simm.s32 $_scs_section_size  }
0x12: {  	s4 =	simm.s32 $_size__tile_overlayer_lowered;
	s5 =	simm.s32 $_tile_overlayer_lowered  }
0x13: {  	s6 =	simm.s32 $0x1BFF;
	s22 =	sshll.u32 s5, $0x1;
	s3 =	sadd.s32 s21, s20  }
0x14: {  	s23 =	simm.s32 $0x0;
	s4 =	sshll.u32 s4, $0x1;
	s5 =	sadd.s32 s22, s3  }
0x15: {  	[timem:s23], [sflag:s6] =	dma.local [hbm:s5], s4  }
0x16: {  	_ =	swait.ge [sflag:s6], s4  }
0x17: {  	s4 =	ssub.s32 $0x0, s4;
	[sflag:s6] =	ssyncset.done $0x0  }
0x18: {  	[sflag:s6] =	ssyncadd.s32 s4;
	_ =	sdelay $0x1  }
0x19: {  	s24 =	simm.s32 $0x1B8B  }
0x1a: {  	_ =	swait.ge [sflag:s24], $0x1  }
0x1b: {  	[sflag:s24] =	ssyncset.done $0x0  }
0x1c: {  	[sflag:s24] =	ssyncadd.s32 $0xFFFFFFFF  }
0x1d: {  	s4 =	sld [smem:$0x0]  }
0x1e: {  	s5 =	sand.u32 $0xFFFFFFFE, s1  }
0x1f: {  	p0 =	sne.s32 s1, s5  }
0x20: {  	s5 =	sshll.u32 @p0 s5, $0xE  }
0x21: {  	s5 =	sadd.s32 @p0 $0x11B8D, s5;
	s6 =	sshll.u32 @p0 s4, $0x11  }
0x22: {  	s5 =	sor.u32 @p0 s6, s5  }
0x23: {  	[sflag:s5] =	ssyncadd.remote.s32 @p0 $0x1;
	_ =	sdelay $0x1  }
0x24: {  	s5 =	simm.s32 @p0 $0x1B8D  }
0x25: {  	_ =	swait.eq @p0 [sflag:s5], $0x1  }
0x26: {  	[sflag:s5] =	ssyncadd.s32 @p0 $0xFFFFFFFF  }
0x27: {  	s6 =	sshll.u32 @!p0 s1, $0xE  }
0x28: {  	s6 =	sor.u32 @!p0 $0x4000, s6;
	s5 =	simm.s32 @!p0 $0x1B8D  }
0x29: {  	s4 =	sshll.u32 @!p0 s4, $0x11;
	s6 =	sadd.s32 @!p0 $0x11B8D, s6;
	_ =	swait.eq @!p0 [sflag:s5], $0x1  }
0x2a: {  	s4 =	sor.u32 @!p0 s4, s6;
	[sflag:s5] =	ssyncadd.s32 @!p0 $0xFFFFFFFF  }
0x2b: {  	s26 =	simm.s32 $0x1B8E;
	s25 =	sld [smem:$0x3FFE];
	[sflag:s4] =	ssyncadd.remote.s32 @!p0 $0x1  }
0x2c: {  	s27 =	simm.s32 $execute0_lowered;
	[smem:$0x3FD2] =	sst s26  }
0x2d: {  	s5 =	sshll.u32 s27, $0x1;
	_ =	strace $0x80000049;
	[dreg:$0x1] =	wrdreg $0xFFFFFFFF  }
0x2e: {  	s28 =	simm.s32 $_size_execute0_lowered;
	s3 =	sadd.s32 s3, s5;
	[dreg:$0x0] =	wrdreg $0x0  }
0x2f: {  	s5 =	sshll.u32 s28, $0x1;
	[dreg:$0x2] =	wrdreg s3  }
0x30: {  	[dreg:$0x3] =	wrdreg s5  }
0x31: {  	[dreg:$0x4] =	wrdreg $0xC0  }
0x32: {  	_ =	task [dreg:s23], $0x5FFFF  }
0x33: {  	[dreg:$0x1] =	wrdreg $0xFFFFFFFF  }
0x34: {  	[dreg:$0x0] =	wrdreg $0x60  }
0x35: {  	[dreg:$0x2] =	wrdreg s25  }
0x36: {  	[dreg:$0x3] =	wrdreg $0x9  }
0x37: {  	_ =	task.clear_ibuf [dreg:s23], $0x4FFFF;
	_ =	strace $0x90000049  }
0x38: {  	s29 =	simm.s32 $0x9;
	_ =	strace $0x8000004B  }
0x39: {  	_ =	swait.ge [sflag:s29], $0x1  }
0x3a: {  	[sflag:s29] =	ssyncadd.s32 $0xFFFFFFFF  }
0x3b: {  	_ =	strace $0x9000004B  }
0x3c: {  	_ =	sfence  }
0x3d: {  	s30 =	sld [smem:$0x0];
	_ =	sdelay $0x2  }
0x3e: {  	s31 =	sshll.u32 s1, $0xD;
	s1 =	sshrl.u32 s1, $0x2  }
0x3f: {  	s4 =	sand.u32 $0x4000, s31;
	s1 =	sadd.s32 s1, s30  }
0x40: {  	s0 =	sor.u32 s4, s0;
	s1 =	sshll.u32 s1, $0x11  }
0x41: {  	s0 =	sor.u32 s1, s0  }
0x42: {  	s0 =	sadd.s32 $0x8F2B, s0  }
0x43: {  	[sflag:s0] =	ssyncadd.remote.s32 $0x1  }
0x44: {  	_ =	sfence.sel $0xFFFF  }
0x45: {  	[dreg:$0x0] =	wrdreg $0xFFFFFFFF;
	(pc) =	sbr.abs _section_cstart, $3  }
0x46: {  	[dreg:$0x1] =	wrdreg $0xFFFFFFFF  }
0x47: {  	_ =	task.clear_ibuf [dreg:s23], $0x2FFFF;
	_ =	strace $0x9FFFFFFF  }
0x48: {  	(tm) =	ssettm $0x7FFFFFFF  }
0x49: {  	_ =	shalt  }
tec
execute0_lowered:
.L_overlay_start_1:
0x0: {  	(tag) =	ssettag $0x1  }
0x1: {  	s0 =	srdreg.scid  }
0x2: {  	s5 =	rddreg [dreg:$0x0];
	s1 =	stileid.u32;
	s4 =	simm.s32 $0x1  }
0x3: {  	s6 =	simm.s32 $0x2;
	s15 =	simm.s32 $0x0;
	p0 =	por $0x0, $0x0  }
0x4: {  	s8 =	simm.s32 $0x80;
	s14 =	simm.s32 $0x0;
	s2 =	sshll.u32 s0, $0x4  }
0x5: {  	s9 =	simm.s32 $0x0;
	s10 =	simm.s32 $0x0;
	s2 =	sand.u32 $0x10, s2  }
.Ltmp0:
0x6: {  	s12 =	simm.s32 $0x0;
	s3 =	sor.u32 s1, s2;
	(pc) =	sbr.rel .LBB1_1-.Ltmp0, $4  }
0x7: {  	s0 =	rddreg [dreg:$0x1];
	_ =	strace $0x8000004A;
	s3 =	sshll.u32 s3, $0x7  }
0x8: {  	s13 =	simm.s32 $0x0;
	[sflag:s4] =	ssyncpa.u1 $0x0;
	s7 =	ssub.s32 $0x7A100, s3  }
0x9: {  	s2 =	sadd.s32 $0xB72C00, s5;
	[sflag:s6] =	ssyncpa.u1 $0x0;
	s6 =	sshrl.u32 s7, $0xC  }
0xa: {  	s5 =	sadd.s32 $0xF43800, s5;
	s11 =	smov.u32 s3;
	s7 =	sadd.s32 $0x2, s6  }
.LBB1_5:
0xb: {  	p1 =	slt.u32 s13, $0x2  }
0xc: {  	s17 =	smov.u32 s15;
	p2 =	sgt.s32 @!p1 s15, $0x7A0A0;
	s16 =	sshra.s32 @!p1 s15, $0x1F  }
0xd: {  	p3 =	sgt.s32 @!p1 s14, $0x40;
	s18 =	sshra.s32 @!p1 s14, $0x1F;
	p2 =	por !p2, p1  }
0xe: {  	s15 =	sand.u32 @!p1 s16, s15;
	p3 =	por !p3, p1;
	s16 =	smov.u32 s14  }
0xf: {  	s14 =	sand.u32 @!p1 s18, s14;
	s17 =	simm.s32 @p2 $0x7A0A0;
	s16 =	simm.s32 @p3 $0x40  }
0x10: {  	s15 =	ssub.s32 @!p1 s17, s15;
	s14 =	ssub.s32 @!p1 s16, s14  }
0x11: {  	s18 =	smov.u32 s12;
	s16 =	sadd.s32 @!p1 $0xFFF85F60, s15;
	s17 =	sadd.s32 @!p1 $0xFFFFFFC0, s14  }
0x12: {  	s15 =	ssub.s32 @!p1 $0x7A120, s15;
	p2 =	sgt.s32 @!p1 s16, $0x7F;
	p3 =	sgt.s32 @!p1 s17, $0x3F  }
0x13: {  	s14 =	ssub.s32 @!p1 $0x80, s14;
	p2 =	por !p2, p1;
	p3 =	por !p3, p1  }
0x14: {  	s16 =	sadd.s32 $0x1000, s11;
	s15 =	simm.s32 @!p2 $0x0;
	s14 =	simm.s32 @!p3 $0x0  }
0x15: {  	p2 =	sgt.s32 s16, $0x7A11F;
	s14 =	smul.u32 @!p1 s14, s15;
	s15 =	sadd.s32 $0x40, s12  }
0x16: {  	s18 =	smov.u32 @p2 s15  }
0x17: {  	s16 =	smov.u32 @p2 s3;
	p2 =	sgt.s32 s18, $0x3F  }
0x18: {  	s18 =	simm.s32 @p2 $0x0;
	p2 =	sne.s32 s13, s7  }
.Ltmp1:
0x19: {  	p0 =	por !p0, !p0;
	s17 =	simm.s32 @!p1 $0x2;
	(pc) =	sbr.rel @!p2 .LBB1_6-.Ltmp1, $4  }
0x1a: {  	s15 =	smov.u32 s9;
	s9 =	smov.u32 s11;
	s14 =	sand.u32 @!p1 $0x3FFFFFFF, s14  }
0x1b: {  	s11 =	smov.u32 s16;
	_ =	swait.ge @!p1 [sflag:s17], s14;
	s19 =	ssub.s32 @!p1 $0x0, s14  }
0x1c: {  	s14 =	smov.u32 s10;
	s13 =	sadd.s32 $0x1, s13;
	[sflag:s17] =	ssyncset.done @!p1 $0x0  }
0x1d: {  	s10 =	smov.u32 s12;
	s12 =	smov.u32 s18;
	[sflag:s17] =	ssyncadd.s32 @!p1 s19  }
.LBB1_1:
0x1e: {  	p1 =	sgt.u32 s13, s6  }
0x1f: {  	s16 =	sshrl.u32 @!p1 s12, $0x3  }
0x20: {  	s17 =	sshll.u32 @!p1 s11, $0x3;
	s16 =	smul.u32 @!p1 $0x3D0C00, s16  }
0x21: {  	s18 =	sshll.u32 @!p1 s12, $0x7;
	s17 =	sand.u32 @!p1 $0xFFFFFC00, s17  }
0x22: {  	s16 =	sadd.s32 @!p1 s16, s17;
	s17 =	sand.u32 @!p1 $0x380, s18  }
0x23: {  	s16 =	sor.u32 @!p1 s17, s16  }
0x24: {  	s17 =	sshrl.u32 @!p1 s16, $0x7  }
0x25: {  	s17 =	smulhi.u32 @!p1 $0x10C6249, s17;
	_ =	sdelay $0x1  }
0x26: {  	s17 =	sshrl.u32 @!p1 s17, $0x4  }
0x27: {  	s18 =	sand.u32 @!p1 $0x7F, s11;
	s19 =	smul.u32 @!p1 $0x7A180, s17  }
0x28: {  	s16 =	sor.u32 @!p1 s18, s16;
	s18 =	sxor.u32 @!p1 $0xFFFFFFFF, s13  }
0x29: {  	s18 =	sshll.u32 @!p1 s18, $0xD;
	s17 =	sand.u32 @!p1 $0x3F, s17;
	s16 =	ssub.s32 @!p1 s16, s19  }
0x2a: {  	s17 =	smul.u32 @!p1 $0xF430, s17;
	s19 =	sshrl.u32 @!p1 s16, $0x3;
	s16 =	sand.u32 @!p1 $0x7, s16  }
0x2b: {  	s18 =	sand.u32 @!p1 $0x2000, s18;
	s19 =	sadd.s32 @!p1 s2, s19;
	s16 =	sshll.u32 @!p1 s16, $0x12  }
0x2c: {  	s17 =	sadd.s32 @!p1 s17, s19;
	s16 =	sor.u32 @!p1 $0x400, s16;
	s19 =	simm.s32 @!p1 $0x3D0C00  }
0x2d: {  	[tilespmem:s18], [sflag:$0x1] =	stream.strided.gather @!p1 [hbm4b:s17+s16], $0x2000, s19, s16, $0x38;
	[tilespmem:$0x8100] =	vst v63  }
0x2e: {  	p1 =	seq.s32 s13, $0x0  }
0x2f: {  	p2 =	sge.u32 @!p1 s13, s7  }
0x30: {  	p1 =	por p1, p2  }
.Ltmp2:
0x31: {  	_ = 	snop;
	(pc) =	sbr.rel @p1 .LBB1_5-.Ltmp2, $1  }
0x32: {  	_ =	sdelay $0x3  }
0x33: {  	s16 =	simm.s32 $0x1  }
0x34: {  	_ =	swait.ge [sflag:s4], $0x2000;
	s16 =	simm.s32 @!p0 $0x0  }
0x35: {  	[sflag:s4] =	ssyncset.done $0x0;
	s17 =	sshll.u32 s16, $0xD  }
0x36: {  	[sflag:s4] =	ssyncadd.s32 $0xFFFFE000;
	s17 =	sor.u32 $0x40, s17  }
0x37: {  	s16 =	smul.u32 $0x8200, s16;
	v0 =	vld [tilespmem:s17+$0x30]  }
0x38: {  	v1 =	vld [tilespmem:s17+$0xFFFFFFD0]  }
0x39: {  	s16 =	sshrl.u32 s16, $0x2;
	v5 =	vld [tilespmem:s17+$0xFFFFFFE0]  }
0x3a: {  	v6 =	vld [tilespmem:s17+$0xFFFFFFF0];
	s19 =	sor.u32 $0x4000, s16  }
0x3b: {  	s31 =	sand.u32 $0x1, s13;
	v4 =	vld [tilespmem:s17+$0x0];
	s18 =	sadd.s32 $0x0, s19  }
0x3c: {  	v3 =	vld [tilespmem:s17+$0x10];
	s16 =	smul.u32 $0x8200, s31;
	[tilespmem:s18+$0x1C70 ss:$0x41] =	vst.msk $0xffff, v0  }
0x3d: {  	v2 =	vld [tilespmem:s17+$0x20];
	[tilespmem:s18+$0x410 ss:$0x41] =	vst.msk $0xffff, v1  }
0x3e: {  	s16 =	sshrl.u32 s16, $0x2;
	v1 =	vld [tilespmem:s17+$0xFFFFFFC0];
	[tilespmem:s18+$0x820 ss:$0x41] =	vst.msk $0xffff, v5;
	s17 =	sadd.s32 $0x80, s17  }
0x3f: {  	s20 =	simm.s32 $0x4;
	s21 =	simm.s32 $0x8;
	s16 =	sor.u32 $0x4000, s16;
	[tilespmem:s18+$0xC30 ss:$0x41] =	vst.msk $0xffff, v6;
	v0 =	vld [tilespmem:s17+$0x30]  }
.LBB1_3:
0x40: {  	p1 =	sne.s32 s21, $0xFC;
	v5 =	vld [tilespmem:s17+$0xFFFFFFD0];
	[tilespmem:s18+$0x1040 ss:$0x41] =	vst.msk $0xffff, v4  }
0x41: {  	v6 =	vld [tilespmem:s17+$0xFFFFFFE0];
	[tilespmem:s18+$0x1450 ss:$0x41] =	vst.msk $0xffff, v3  }
0x42: {  	s22 =	sshra.s32 s20, $0x2;
	s20 =	smov.u32 s21;
	v7 =	vld [tilespmem:s17+$0xFFFFFFF0];
	[tilespmem:s18+$0x1860 ss:$0x41] =	vst.msk $0xffff, v2  }
.Ltmp3:
0x43: {  	v4 =	vld [tilespmem:s17+$0x0];
	[tilespmem:s18+$0x0 ss:$0x41] =	vst.msk $0xffff, v1;
	s18 =	sadd.s32 s22, s19;
	(pc) =	sbr.rel @p1 .LBB1_3-.Ltmp3, $4  }
0x44: {  	v3 =	vld [tilespmem:s17+$0x10];
	[tilespmem:s18+$0x1C70 ss:$0x41] =	vst.msk $0xffff, v0  }
0x45: {  	[tilespmem:s18+$0x410 ss:$0x41] =	vst.msk $0xffff, v5;
	v2 =	vld [tilespmem:s17+$0x20]  }
0x46: {  	v1 =	vld [tilespmem:s17+$0xFFFFFFC0];
	[tilespmem:s18+$0x820 ss:$0x41] =	vst.msk $0xffff, v6;
	s17 =	sadd.s32 $0x80, s17  }
0x47: {  	s21 =	sadd.s32 $0x4, s21;
	v0 =	vld [tilespmem:s17+$0x30];
	[tilespmem:s18+$0xC30 ss:$0x41] =	vst.msk $0xffff, v7  }
0x48: {  	s21 =	sshll.u32 s9, $0x7;
	s22 =	sshll.u32 s10, $0x3;
	s20 =	sshra.s32 s20, $0x2  }
0x49: {  	p1 =	sgt.s32 s9, $0x7A0A0;
	s30 =	sshra.s32 s9, $0x1F;
	s25 =	sshra.s32 s10, $0x1F  }
0x4a: {  	v5 =	vld [tilespmem:s17+$0xFFFFFFD0];
	s28 =	sshrl.u32 s10, $0x3;
	s23 =	sand.u32 $0xFFFFFC00, s21;
	s22 =	sand.u32 $0xFFFFFC00, s22  }
0x4b: {  	[tilespmem:s18+$0x1040 ss:$0x41] =	vst.msk $0xffff, v4;
	v58 =	vld [tilespmem:s17+$0xFFFFFFE0];
	s21 =	sand.u32 $0x380, s21;
	s19 =	sadd.s32 s20, s19;
	s22 =	sadd.s32 s22, s23  }
0x4c: {  	v59 =	vld [tilespmem:s17+$0xFFFFFFF0];
	[tilespmem:s18+$0x1450 ss:$0x41] =	vst.msk $0xffff, v3;
	s29 =	sor.u32 s21, s22;
	s21 =	smov.u32 s9;
	s22 =	sand.u32 s30, s9  }
0x4d: {  	v60 =	vld [tilespmem:s17+$0x0];
	[tilespmem:s18+$0x1860 ss:$0x41] =	vst.msk $0xffff, v2;
	s30 =	sand.u32 $0x7, s10;
	s20 =	sshrl.u32 s29, $0x7;
	s21 =	simm.s32 @!p1 $0x7A0A0  }
0x4e: {  	v61 =	vld [tilespmem:s17+$0x10];
	[tilespmem:s18+$0x0 ss:$0x41] =	vst.msk $0xffff, v1;
	p1 =	sgt.s32 s10, $0x40;
	s24 =	ssub.s32 s21, s22;
	s21 =	smov.u32 s10  }
0x4f: {  	v62 =	vld [tilespmem:s17+$0x20];
	[tilespmem:s19+$0x1C70 ss:$0x41] =	vst.msk $0xffff, v0;
	s31 =	smulhi.u32 $0x218DEF5, s20;
	s22 =	sand.u32 s25, s10;
	s21 =	simm.s32 @!p1 $0x40  }
0x50: {  	v63 =	vld [tilespmem:s17+$0xFFFFFFC0];
	[tilespmem:s19+$0x410 ss:$0x41] =	vst.msk $0xffff, v5;
	s26 =	sadd.s32 $0xFFF85F60, s24;
	s17 =	ssub.s32 $0x7A120, s24;
	s21 =	ssub.s32 s21, s22  }
0x51: {  	[tilespmem:s19+$0x820 ss:$0x41] =	vst.msk $0xffff, v58;
	s23 =	sshrl.u32 s31, $0xC;
	p1 =	sgt.s32 s26, $0x7F;
	s27 =	sadd.s32 $0xFFFFFFC0, s21  }
0x52: {  	[tilespmem:s19+$0xC30 ss:$0x41] =	vst.msk $0xffff, v59;
	s23 =	smul.u32 $0x7A120, s23;
	s18 =	ssub.s32 $0x80, s21;
	p2 =	sgt.s32 s27, $0x3F  }
.Ltmp4:
0x53: {  	[tilespmem:s19+$0x1040 ss:$0x41] =	vst.msk $0xffff, v60;
	s17 =	simm.s32 @p1 $0x0;
	s18 =	simm.s32 @p2 $0x0;
	(pc) =	sbr.rel .LBB1_5-.Ltmp4, $4  }
0x54: {  	s29 =	sand.u32 $0xF, s28;
	[tilespmem:s19+$0x1450 ss:$0x41] =	vst.msk $0xffff, v61;
	s20 =	ssub.s32 s20, s23;
	s17 =	smul.u32 s18, s17  }
0x55: {  	[tilespmem:s19+$0x1860 ss:$0x41] =	vst.msk $0xffff, v62;
	s21 =	sshll.u32 s30, $0x12;
	s20 =	sshll.u32 s20, $0x4;
	s18 =	sadd.s32 s5, s29  }
0x56: {  	[tilespmem:s19+$0x0 ss:$0x41] =	vst.msk $0xffff, v63;
	s31 =	sor.u32 $0x40, s21;
	s18 =	sadd.s32 s20, s18;
	s17 =	sand.u32 $0x3FFFFFFF, s17  }
0x57: {  	[hbm4b:s18+s31] =	stream.strided.scatter [tilespmem:s16], [sflag:$0x2], s17, s8, s31, $0x18;
	[tilespmem:$0x8100] =	vst v63  }
.LBB1_6:
0x58: {  	_ =	sfence.sel $0x180000  }
0x59: {  	s2 =	simm.s32 $0x1;
	[bflag:$0x0] =	sbarrier.arrive $0xFFFF  }
0x5a: {  	s31 =	simm.s32 $0x2;
	[sflag:s2] =	ssyncpa.u1 $0x1  }
0x5b: {  	[sflag:s31] =	ssyncpa.u1 $0x1  }
0x5c: {  	p0 =	sne.s32 s1, $0x0;
	_ =	strace $0x9000004A  }
0x5d: {  	s0 =	sadd.s32 @!p0 $0x100000, s0;
	[bflag:$0x2] =	sbarrier.arrive $0xFFFF  }
0x5e: {  	[sflag:s0] =	ssyncadd.tile.s32 @!p0 $0x1;
	_ =	shalt  }
.Lfunc_end1:
_tile_overlayer_lowered:
.L_overlay_start_2:
0x5f: {  	(tag) =	ssettag $0x2  }
0x60: {  	s0 =	rddreg [dreg:$0x0];
	s2 =	stileid.u32  }
0x61: {  	s1 =	rddreg [dreg:$0x1];
	p0 =	sne.s32 s2, $0x0  }
0x62: {  	s3 =	rddreg [dreg:$0x2];
	[bflag:$0x3] =	sbarrier.arrive $0xFFFF;
	s2 =	simm.s32 @!p0 $0x1C01  }
0x63: {  	[timem:s3], [sflag:s2] =	dma.local @!p0 [hbm:s0], s1  }
0x64: {  	s0 =	simm.s32 @!p0 $0x1  }
0x65: {  	_ =	swait.ge @!p0 [sflag:s0], s1  }
0x66: {  	s1 =	ssub.s32 @!p0 $0x0, s1;
	[sflag:s0] =	ssyncset.done @!p0 $0x0  }
0x67: {  	[sflag:s0] =	ssyncadd.s32 @!p0 s1  }
0x68: {  	[bflag:$0x3] =	sbarrier.arrive $0xFFFF  }
0x69: {  	_ =	shalt  }

</sc_bundles>
